<compile_context>
chip_gen: v7x
topology: tpu7x:2x2x1
jax: 0.10.2.dev20260603
libtpu: 0.0.44.dev20260713+nightly
codegen_flags: <defaults>
</compile_context>

<pallas_src>
import functools

import jax
import jax.numpy as jnp
from jax import lax
from jax.experimental import pallas as pl
from jax.experimental.pallas import tpu as pltpu
from jax.experimental.pallas import tpu_sc as plsc


def _cdist_body(src_ref, dst_ref, dist_f_ref, idx_f_ref, dist_b_ref,
                idx_b_ref):
    nb, _, m = src_ref.shape
    n = dst_ref.shape[2]
    f32, i32 = jnp.float32, jnp.int32

    def step(bb, carry):
        sl = pl.ds(bb, 1)
        xs = src_ref[sl][0]
        ys = dst_ref[sl][0]

        x0 = jnp.reshape(xs[0:1, :], (m, 1))
        x1 = jnp.reshape(xs[1:2, :], (m, 1))
        x2 = jnp.reshape(xs[2:3, :], (m, 1))
        d0 = x0 - ys[0:1, :]
        d1 = x1 - ys[1:2, :]
        d2_ = x2 - ys[2:3, :]
        s = d0 * d0 + d1 * d1 + d2_ * d2_

        bits = lax.bitcast_convert_type(s, i32)
        km = bits & i32(-2048)

        iota_c = lax.broadcasted_iota(i32, (m, n), 1)
        keyr = lax.bitcast_convert_type(km | iota_c, f32)
        rk = lax.bitcast_convert_type(
            jnp.min(keyr, axis=1, keepdims=True), i32)
        rval = lax.bitcast_convert_type(rk & i32(-2048), f32)
        dist_f_ref[sl, :] = jnp.reshape(
            jnp.sqrt(jnp.maximum(rval, 0.0)), (1, m))
        idx_f_ref[sl, :] = jnp.reshape((rk & 0x7FF) + bb * n, (1, m))

        iota_r = lax.broadcasted_iota(i32, (m, n), 0)
        keyc = lax.bitcast_convert_type(km | iota_r, f32)
        ckey = lax.bitcast_convert_type(
            jnp.min(keyc, axis=0, keepdims=True), i32)
        cval = lax.bitcast_convert_type(ckey & i32(-2048), f32)
        dist_b_ref[sl, :] = jnp.sqrt(jnp.maximum(cval, 0.0))
        idx_b_ref[sl, :] = (ckey & 0x7FF) + bb * m
        return carry

    lax.fori_loop(0, nb, step, 0)


def _cdist_call(src, dst):
    b, k, m = src.shape
    n = dst.shape[2]
    assert n <= 2048 and m <= 2048
    return pl.pallas_call(
        _cdist_body,
        in_specs=[
            pl.BlockSpec((b, k, m), lambda: (0, 0, 0)),
            pl.BlockSpec((b, k, n), lambda: (0, 0, 0)),
        ],
        out_specs=[
            pl.BlockSpec((b, m), lambda: (0, 0)),
            pl.BlockSpec((b, m), lambda: (0, 0)),
            pl.BlockSpec((b, n), lambda: (0, 0)),
            pl.BlockSpec((b, n), lambda: (0, 0)),
        ],
        out_shape=[
            jax.ShapeDtypeStruct((b, m), jnp.float32),
            jax.ShapeDtypeStruct((b, m), jnp.int32),
            jax.ShapeDtypeStruct((b, n), jnp.float32),
            jax.ShapeDtypeStruct((b, n), jnp.int32),
        ],
    )(src, dst)


_IW = 128


def _make_sc_gather(b, m, n):
    info = plsc.get_sparse_core_info()
    nc, ns, lanes = info.num_cores, info.num_subcores, info.num_lanes
    nw = nc * ns
    fw = (b * m) // nw
    bw = (b * n) // nw
    assert (b * m) % (nw * _IW) == 0 and (b * n) % (nw * _IW) == 0
    kf = fw // _IW
    kb = bw // _IW
    f_scale = 0.5 / (b * m)
    b_scale = 0.5 / (b * n)
    mesh = plsc.VectorSubcoreMesh(core_axis_name="c", subcore_axis_name="s")

    @functools.partial(
        pl.kernel, mesh=mesh,
        out_type=jax.ShapeDtypeStruct((nw, lanes), jnp.float32),
        scratch_types=[
            pltpu.VMEM((fw,), jnp.int32),
            pltpu.VMEM((fw,), jnp.float32),
            pltpu.VMEM((fw,), jnp.float32),
            pltpu.VMEM((fw,), jnp.float32),
            pltpu.VMEM((bw,), jnp.int32),
            pltpu.VMEM((bw,), jnp.float32),
            pltpu.VMEM((bw,), jnp.float32),
            pltpu.VMEM((bw,), jnp.float32),
            pltpu.VMEM((lanes,), jnp.float32),
            pltpu.SemaphoreType.DMA,
            pltpu.SemaphoreType.DMA,
            pltpu.SemaphoreType.DMA,
        ],
    )
    def sc_fn(df_hbm, if_hbm, ss_hbm, db_hbm, ib_hbm, sd_hbm, out_hbm,
              fidx_v, fgth_v, fdat_v, fsig_v,
              bidx_v, bgth_v, bdat_v, bsig_v, acc_v,
              sem_i, sem_d, sem_g):
        wid = lax.axis_index("s") * nc + lax.axis_index("c")
        fbase = wid * fw
        bbase = wid * bw

        ci_f = pltpu.async_copy(if_hbm.at[pl.ds(fbase, fw)], fidx_v, sem_i)
        ci_b = pltpu.async_copy(ib_hbm.at[pl.ds(bbase, bw)], bidx_v, sem_i)
        cd = [
            pltpu.async_copy(df_hbm.at[pl.ds(fbase, fw)], fdat_v, sem_d),
            pltpu.async_copy(ss_hbm.at[pl.ds(fbase, fw)], fsig_v, sem_d),
            pltpu.async_copy(db_hbm.at[pl.ds(bbase, bw)], bdat_v, sem_d),
            pltpu.async_copy(sd_hbm.at[pl.ds(bbase, bw)], bsig_v, sem_d),
        ]
        ci_f.wait()
        ci_b.wait()
        cg = []
        for k in range(kf):
            sl = pl.ds(k * _IW, _IW)
            cg.append(pltpu.async_copy(sd_hbm.at[fidx_v.at[sl]],
                                       fgth_v.at[sl], sem_g))
        for k in range(kb):
            sl = pl.ds(k * _IW, _IW)
            cg.append(pltpu.async_copy(ss_hbm.at[bidx_v.at[sl]],
                                       bgth_v.at[sl], sem_g))
        for c in cd:
            c.wait()
        for c in cg:
            c.wait()

        acc_f = jnp.zeros((lanes,), jnp.float32)
        for c in range(fw // lanes):
            sl = pl.ds(c * lanes, lanes)
            acc_f = acc_f + fdat_v[sl] * (fsig_v[sl] + fgth_v[sl])

        acc_b = jnp.zeros((lanes,), jnp.float32)
        for c in range(bw // lanes):
            sl = pl.ds(c * lanes, lanes)
            acc_b = acc_b + bdat_v[sl] * (bsig_v[sl] + bgth_v[sl])

        acc_v[...] = acc_f * f_scale + acc_b * b_scale
        pltpu.sync_copy(acc_v, out_hbm.at[wid])

    return sc_fn


def _finalize_body(p_ref, o_ref):
    o_ref[...] = jnp.full((1, 1), jnp.sum(p_ref[...]), jnp.float32)


def _finalize(parts):
    return pl.pallas_call(
        _finalize_body,
        out_shape=jax.ShapeDtypeStruct((1, 1), jnp.float32),
    )(parts)


def kernel(pc_src, pc_dst, sigma_src, sigma_dst):
    b, _, m = pc_src.shape
    n = pc_dst.shape[2]
    dist_f, idx_f, dist_b, idx_b = _cdist_call(pc_src, pc_dst)
    sc_fn = _make_sc_gather(b, m, n)
    parts = sc_fn(dist_f.reshape(-1), idx_f.reshape(-1),
                  sigma_src.reshape(-1), dist_b.reshape(-1),
                  idx_b.reshape(-1), sigma_dst.reshape(-1))
    return _finalize(parts)[0, 0]

# --- scband reference (transcript-rebuilt; emitter-appended) ---
"""Pipeline reference for scband-chamfer-loss-66022237274636 (READ-ONLY COPY).

The authoritative reference and input builder live on the scoring server;
editing this copy changes nothing except your own understanding.
"""

import jax, jax.numpy as jnp
import numpy as np


def setup_inputs(seed: int = 0) -> dict:
    key = jax.random.key(seed)
    k1, k2, k3, k4 = jax.random.split(key, 4)
    B, M, N = 8, 2048, 2048
    return {
        "pc_src": jax.random.normal(k1, (B, 3, M), dtype=jnp.float32),
        "pc_dst": jax.random.normal(k2, (B, 3, N), dtype=jnp.float32),
        "sigma_src": jax.random.uniform(k3, (B, M), dtype=jnp.float32),
        "sigma_dst": jax.random.uniform(k4, (B, N), dtype=jnp.float32),
    }


def reference(pc_src, pc_dst, sigma_src, sigma_dst):
    # pc_src: [B, 3, M] -> [B, 3, M, 1]; pc_dst: [B, 3, N] -> [B, 3, 1, N]
    d = pc_src[:, :, :, None] - pc_dst[:, :, None, :]
    diff = jnp.linalg.norm(d, axis=1)  # [B, M, N]

    # forward: for each src point, nearest dst point
    src_dst_min_dist = jnp.min(diff, axis=2)          # [B, M]
    src_dst_I = jnp.argmin(diff, axis=2)              # [B, M]
    selected_sigma_dst = jnp.take_along_axis(sigma_dst, src_dst_I, axis=1)  # [B, M]
    sigma_src_dst = (sigma_src + selected_sigma_dst) / 2
    forward_loss = jnp.mean(src_dst_min_dist * sigma_src_dst)

    # backward: for each dst point, nearest src point
    dst_src_min_dist = jnp.min(diff, axis=1)          # [B, N]
    dst_src_I = jnp.argmin(diff, axis=1)              # [B, N]
    selected_sigma_src = jnp.take_along_axis(sigma_src, dst_src_I, axis=1)  # [B, N]
    sigma_dst_src = (sigma_dst + selected_sigma_src) / 2
    backward_loss = jnp.mean(dst_src_min_dist * sigma_dst_src)

    return forward_loss + backward_loss

if __name__ == "__main__":
    import jax
    _d = setup_inputs()
    print(jax.jit(kernel)(*tuple(_d.values())))

</pallas_src>

<mosaic_0001>
#map = affine_map<(d0, d1) -> (0)>
#map1 = affine_map<(d0, d1) -> (0, 0)>
module attributes {stable_mosaic.version = 14 : i64} {
  func.func @sc_fn(%arg0: i32, %arg1: i32, %arg2: memref<16384xf32, #tpu.memory_space<hbm>>, %arg3: memref<16384xi32, #tpu.memory_space<hbm>>, %arg4: memref<16384xf32, #tpu.memory_space<hbm>>, %arg5: memref<16384xf32, #tpu.memory_space<hbm>>, %arg6: memref<16384xi32, #tpu.memory_space<hbm>>, %arg7: memref<16384xf32, #tpu.memory_space<hbm>>, %arg8: memref<32x16xf32, #tpu.memory_space<hbm>>, %arg9: memref<512xi32, #tpu.memory_space<vmem>>, %arg10: memref<512xf32, #tpu.memory_space<vmem>>, %arg11: memref<512xf32, #tpu.memory_space<vmem>>, %arg12: memref<512xf32, #tpu.memory_space<vmem>>, %arg13: memref<512xi32, #tpu.memory_space<vmem>>, %arg14: memref<512xf32, #tpu.memory_space<vmem>>, %arg15: memref<512xf32, #tpu.memory_space<vmem>>, %arg16: memref<512xf32, #tpu.memory_space<vmem>>, %arg17: memref<16xf32, #tpu.memory_space<vmem>>, %arg18: memref<!tpu.dma_semaphore, #tpu.memory_space<semaphore_mem>>, %arg19: memref<!tpu.dma_semaphore, #tpu.memory_space<semaphore_mem>>, %arg20: memref<!tpu.dma_semaphore, #tpu.memory_space<semaphore_mem>>) attributes {dimension_semantics = [#tpu.dimension_semantics<core_parallel>, #tpu.dimension_semantics<subcore_parallel>], iteration_bounds = array<i64: 2, 16>, scalar_prefetch = 0 : i64, scratch_operands = 12 : i64, tpu.core_type = #tpu.core_type<sc_vector_subcore>, window_params = [{transform_indices = #map}, {transform_indices = #map}, {transform_indices = #map}, {transform_indices = #map}, {transform_indices = #map}, {transform_indices = #map}, {transform_indices = #map1}]} {
    %mul3A = arith.constant 2 : i32
    %mul3A_0 = arith.muli %arg1, %mul3A : i32
    %add3A = arith.addi %mul3A_0, %arg0 : i32
    %mul3A_1 = arith.constant 512 : i32
    %mul3A_2 = arith.muli %add3A, %mul3A_1 : i32
    %mul3A_3 = arith.constant 512 : i32
    %mul3A_4 = arith.muli %add3A, %mul3A_3 : i32
    %dma_start3A = tpu.memref_slice %arg3[%mul3A_2] : memref<16384xi32, #tpu.memory_space<hbm>> -> memref<512xi32, #tpu.memory_space<hbm>>
    %dma_start3A_5 = tpu.memref_slice %arg3[%mul3A_2] : memref<16384xi32, #tpu.memory_space<hbm>> -> memref<512xi32, #tpu.memory_space<hbm>>
    tpu.enqueue_dma source(%dma_start3A_5 : memref<512xi32, #tpu.memory_space<hbm>>) target(%arg9 : memref<512xi32, #tpu.memory_space<vmem>>) target_semaphore(%arg18 : memref<!tpu.dma_semaphore, #tpu.memory_space<semaphore_mem>>)
    %dma_start3A_6 = tpu.memref_slice %arg6[%mul3A_4] : memref<16384xi32, #tpu.memory_space<hbm>> -> memref<512xi32, #tpu.memory_space<hbm>>
    %dma_start3A_7 = tpu.memref_slice %arg6[%mul3A_4] : memref<16384xi32, #tpu.memory_space<hbm>> -> memref<512xi32, #tpu.memory_space<hbm>>
    tpu.enqueue_dma source(%dma_start3A_7 : memref<512xi32, #tpu.memory_space<hbm>>) target(%arg13 : memref<512xi32, #tpu.memory_space<vmem>>) target_semaphore(%arg18 : memref<!tpu.dma_semaphore, #tpu.memory_space<semaphore_mem>>)
    %dma_start3A_8 = tpu.memref_slice %arg2[%mul3A_2] : memref<16384xf32, #tpu.memory_space<hbm>> -> memref<512xf32, #tpu.memory_space<hbm>>
    %dma_start3A_9 = tpu.memref_slice %arg2[%mul3A_2] : memref<16384xf32, #tpu.memory_space<hbm>> -> memref<512xf32, #tpu.memory_space<hbm>>
    tpu.enqueue_dma source(%dma_start3A_9 : memref<512xf32, #tpu.memory_space<hbm>>) target(%arg11 : memref<512xf32, #tpu.memory_space<vmem>>) target_semaphore(%arg19 : memref<!tpu.dma_semaphore, #tpu.memory_space<semaphore_mem>>)
    %dma_start3A_10 = tpu.memref_slice %arg4[%mul3A_2] : memref<16384xf32, #tpu.memory_space<hbm>> -> memref<512xf32, #tpu.memory_space<hbm>>
    %dma_start3A_11 = tpu.memref_slice %arg4[%mul3A_2] : memref<16384xf32, #tpu.memory_space<hbm>> -> memref<512xf32, #tpu.memory_space<hbm>>
    tpu.enqueue_dma source(%dma_start3A_11 : memref<512xf32, #tpu.memory_space<hbm>>) target(%arg12 : memref<512xf32, #tpu.memory_space<vmem>>) target_semaphore(%arg19 : memref<!tpu.dma_semaphore, #tpu.memory_space<semaphore_mem>>)
    %dma_start3A_12 = tpu.memref_slice %arg5[%mul3A_4] : memref<16384xf32, #tpu.memory_space<hbm>> -> memref<512xf32, #tpu.memory_space<hbm>>
    %dma_start3A_13 = tpu.memref_slice %arg5[%mul3A_4] : memref<16384xf32, #tpu.memory_space<hbm>> -> memref<512xf32, #tpu.memory_space<hbm>>
    tpu.enqueue_dma source(%dma_start3A_13 : memref<512xf32, #tpu.memory_space<hbm>>) target(%arg15 : memref<512xf32, #tpu.memory_space<vmem>>) target_semaphore(%arg19 : memref<!tpu.dma_semaphore, #tpu.memory_space<semaphore_mem>>)
    %dma_start3A_14 = tpu.memref_slice %arg7[%mul3A_4] : memref<16384xf32, #tpu.memory_space<hbm>> -> memref<512xf32, #tpu.memory_space<hbm>>
    %dma_start3A_15 = tpu.memref_slice %arg7[%mul3A_4] : memref<16384xf32, #tpu.memory_space<hbm>> -> memref<512xf32, #tpu.memory_space<hbm>>
    tpu.enqueue_dma source(%dma_start3A_15 : memref<512xf32, #tpu.memory_space<hbm>>) target(%arg16 : memref<512xf32, #tpu.memory_space<vmem>>) target_semaphore(%arg19 : memref<!tpu.dma_semaphore, #tpu.memory_space<semaphore_mem>>)
    %dma_wait3A = tpu.memref_slice %arg3[%mul3A_2] : memref<16384xi32, #tpu.memory_space<hbm>> -> memref<512xi32, #tpu.memory_space<hbm>>
    %dma_wait3A_16 = tpu.memref_slice %arg3[%mul3A_2] : memref<16384xi32, #tpu.memory_space<hbm>> -> memref<512xi32, #tpu.memory_space<hbm>>
    tpu.wait_dma2 semaphore(%arg18 : memref<!tpu.dma_semaphore, #tpu.memory_space<semaphore_mem>>) src(%dma_wait3A_16 : memref<512xi32, #tpu.memory_space<hbm>>) dst(%arg9 : memref<512xi32, #tpu.memory_space<vmem>>)
    %dma_wait3A_17 = tpu.memref_slice %arg6[%mul3A_4] : memref<16384xi32, #tpu.memory_space<hbm>> -> memref<512xi32, #tpu.memory_space<hbm>>
    %dma_wait3A_18 = tpu.memref_slice %arg6[%mul3A_4] : memref<16384xi32, #tpu.memory_space<hbm>> -> memref<512xi32, #tpu.memory_space<hbm>>
    tpu.wait_dma2 semaphore(%arg18 : memref<!tpu.dma_semaphore, #tpu.memory_space<semaphore_mem>>) src(%dma_wait3A_18 : memref<512xi32, #tpu.memory_space<hbm>>) dst(%arg13 : memref<512xi32, #tpu.memory_space<vmem>>)
    %dma_start3A_19 = arith.constant 0 : i32
    %dma_start3A_20 = tpu.memref_slice %arg10[%dma_start3A_19] : memref<512xf32, #tpu.memory_space<vmem>> -> memref<128xf32, #tpu.memory_space<vmem>>
    %dma_start3A_21 = arith.constant 0 : i32
    %dma_start3A_22 = tpu.memref_slice %arg9[%dma_start3A_21] : memref<512xi32, #tpu.memory_space<vmem>> -> memref<128xi32, #tpu.memory_space<vmem>>
    %dma_start3A_23 = arith.constant 0 : i32
    %dma_start3A_24 = tpu.memref_slice %arg7[%dma_start3A_23] : memref<16384xf32, #tpu.memory_space<hbm>> -> memref<16384xf32, #tpu.memory_space<hbm>>
    tpu.enqueue_indirect_dma source(%dma_start3A_24 : memref<16384xf32, #tpu.memory_space<hbm>>) target(%dma_start3A_20 : memref<128xf32, #tpu.memory_space<vmem>>) offsets(%dma_start3A_22 : memref<128xi32, #tpu.memory_space<vmem>>) semaphore(%arg20 : memref<!tpu.dma_semaphore, #tpu.memory_space<semaphore_mem>>)
    %dma_start3A_25 = arith.constant 128 : i32
    %dma_start3A_26 = tpu.memref_slice %arg10[%dma_start3A_25] : memref<512xf32, #tpu.memory_space<vmem>> -> memref<128xf32, #tpu.memory_space<vmem>>
    %dma_start3A_27 = arith.constant 128 : i32
    %dma_start3A_28 = tpu.memref_slice %arg9[%dma_start3A_27] : memref<512xi32, #tpu.memory_space<vmem>> -> memref<128xi32, #tpu.memory_space<vmem>>
    %dma_start3A_29 = arith.constant 0 : i32
    %dma_start3A_30 = tpu.memref_slice %arg7[%dma_start3A_29] : memref<16384xf32, #tpu.memory_space<hbm>> -> memref<16384xf32, #tpu.memory_space<hbm>>
    tpu.enqueue_indirect_dma source(%dma_start3A_30 : memref<16384xf32, #tpu.memory_space<hbm>>) target(%dma_start3A_26 : memref<128xf32, #tpu.memory_space<vmem>>) offsets(%dma_start3A_28 : memref<128xi32, #tpu.memory_space<vmem>>) semaphore(%arg20 : memref<!tpu.dma_semaphore, #tpu.memory_space<semaphore_mem>>)
    %dma_start3A_31 = arith.constant 256 : i32
    %dma_start3A_32 = tpu.memref_slice %arg10[%dma_start3A_31] : memref<512xf32, #tpu.memory_space<vmem>> -> memref<128xf32, #tpu.memory_space<vmem>>
    %dma_start3A_33 = arith.constant 256 : i32
    %dma_start3A_34 = tpu.memref_slice %arg9[%dma_start3A_33] : memref<512xi32, #tpu.memory_space<vmem>> -> memref<128xi32, #tpu.memory_space<vmem>>
    %dma_start3A_35 = arith.constant 0 : i32
    %dma_start3A_36 = tpu.memref_slice %arg7[%dma_start3A_35] : memref<16384xf32, #tpu.memory_space<hbm>> -> memref<16384xf32, #tpu.memory_space<hbm>>
    tpu.enqueue_indirect_dma source(%dma_start3A_36 : memref<16384xf32, #tpu.memory_space<hbm>>) target(%dma_start3A_32 : memref<128xf32, #tpu.memory_space<vmem>>) offsets(%dma_start3A_34 : memref<128xi32, #tpu.memory_space<vmem>>) semaphore(%arg20 : memref<!tpu.dma_semaphore, #tpu.memory_space<semaphore_mem>>)
    %dma_start3A_37 = arith.constant 384 : i32
    %dma_start3A_38 = tpu.memref_slice %arg10[%dma_start3A_37] : memref<512xf32, #tpu.memory_space<vmem>> -> memref<128xf32, #tpu.memory_space<vmem>>
    %dma_start3A_39 = arith.constant 384 : i32
    %dma_start3A_40 = tpu.memref_slice %arg9[%dma_start3A_39] : memref<512xi32, #tpu.memory_space<vmem>> -> memref<128xi32, #tpu.memory_space<vmem>>
    %dma_start3A_41 = arith.constant 0 : i32
    %dma_start3A_42 = tpu.memref_slice %arg7[%dma_start3A_41] : memref<16384xf32, #tpu.memory_space<hbm>> -> memref<16384xf32, #tpu.memory_space<hbm>>
    tpu.enqueue_indirect_dma source(%dma_start3A_42 : memref<16384xf32, #tpu.memory_space<hbm>>) target(%dma_start3A_38 : memref<128xf32, #tpu.memory_space<vmem>>) offsets(%dma_start3A_40 : memref<128xi32, #tpu.memory_space<vmem>>) semaphore(%arg20 : memref<!tpu.dma_semaphore, #tpu.memory_space<semaphore_mem>>)
    %dma_start3A_43 = arith.constant 0 : i32
    %dma_start3A_44 = tpu.memref_slice %arg14[%dma_start3A_43] : memref<512xf32, #tpu.memory_space<vmem>> -> memref<128xf32, #tpu.memory_space<vmem>>
    %dma_start3A_45 = arith.constant 0 : i32
    %dma_start3A_46 = tpu.memref_slice %arg13[%dma_start3A_45] : memref<512xi32, #tpu.memory_space<vmem>> -> memref<128xi32, #tpu.memory_space<vmem>>
    %dma_start3A_47 = arith.constant 0 : i32
    %dma_start3A_48 = tpu.memref_slice %arg4[%dma_start3A_47] : memref<16384xf32, #tpu.memory_space<hbm>> -> memref<16384xf32, #tpu.memory_space<hbm>>
    tpu.enqueue_indirect_dma source(%dma_start3A_48 : memref<16384xf32, #tpu.memory_space<hbm>>) target(%dma_start3A_44 : memref<128xf32, #tpu.memory_space<vmem>>) offsets(%dma_start3A_46 : memref<128xi32, #tpu.memory_space<vmem>>) semaphore(%arg20 : memref<!tpu.dma_semaphore, #tpu.memory_space<semaphore_mem>>)
    %dma_start3A_49 = arith.constant 128 : i32
    %dma_start3A_50 = tpu.memref_slice %arg14[%dma_start3A_49] : memref<512xf32, #tpu.memory_space<vmem>> -> memref<128xf32, #tpu.memory_space<vmem>>
    %dma_start3A_51 = arith.constant 128 : i32
    %dma_start3A_52 = tpu.memref_slice %arg13[%dma_start3A_51] : memref<512xi32, #tpu.memory_space<vmem>> -> memref<128xi32, #tpu.memory_space<vmem>>
    %dma_start3A_53 = arith.constant 0 : i32
    %dma_start3A_54 = tpu.memref_slice %arg4[%dma_start3A_53] : memref<16384xf32, #tpu.memory_space<hbm>> -> memref<16384xf32, #tpu.memory_space<hbm>>
    tpu.enqueue_indirect_dma source(%dma_start3A_54 : memref<16384xf32, #tpu.memory_space<hbm>>) target(%dma_start3A_50 : memref<128xf32, #tpu.memory_space<vmem>>) offsets(%dma_start3A_52 : memref<128xi32, #tpu.memory_space<vmem>>) semaphore(%arg20 : memref<!tpu.dma_semaphore, #tpu.memory_space<semaphore_mem>>)
    %dma_start3A_55 = arith.constant 256 : i32
    %dma_start3A_56 = tpu.memref_slice %arg14[%dma_start3A_55] : memref<512xf32, #tpu.memory_space<vmem>> -> memref<128xf32, #tpu.memory_space<vmem>>
    %dma_start3A_57 = arith.constant 256 : i32
    %dma_start3A_58 = tpu.memref_slice %arg13[%dma_start3A_57] : memref<512xi32, #tpu.memory_space<vmem>> -> memref<128xi32, #tpu.memory_space<vmem>>
    %dma_start3A_59 = arith.constant 0 : i32
    %dma_start3A_60 = tpu.memref_slice %arg4[%dma_start3A_59] : memref<16384xf32, #tpu.memory_space<hbm>> -> memref<16384xf32, #tpu.memory_space<hbm>>
    tpu.enqueue_indirect_dma source(%dma_start3A_60 : memref<16384xf32, #tpu.memory_space<hbm>>) target(%dma_start3A_56 : memref<128xf32, #tpu.memory_space<vmem>>) offsets(%dma_start3A_58 : memref<128xi32, #tpu.memory_space<vmem>>) semaphore(%arg20 : memref<!tpu.dma_semaphore, #tpu.memory_space<semaphore_mem>>)
    %dma_start3A_61 = arith.constant 384 : i32
    %dma_start3A_62 = tpu.memref_slice %arg14[%dma_start3A_61] : memref<512xf32, #tpu.memory_space<vmem>> -> memref<128xf32, #tpu.memory_space<vmem>>
    %dma_start3A_63 = arith.constant 384 : i32
    %dma_start3A_64 = tpu.memref_slice %arg13[%dma_start3A_63] : memref<512xi32, #tpu.memory_space<vmem>> -> memref<128xi32, #tpu.memory_space<vmem>>
    %dma_start3A_65 = arith.constant 0 : i32
    %dma_start3A_66 = tpu.memref_slice %arg4[%dma_start3A_65] : memref<16384xf32, #tpu.memory_space<hbm>> -> memref<16384xf32, #tpu.memory_space<hbm>>
    tpu.enqueue_indirect_dma source(%dma_start3A_66 : memref<16384xf32, #tpu.memory_space<hbm>>) target(%dma_start3A_62 : memref<128xf32, #tpu.memory_space<vmem>>) offsets(%dma_start3A_64 : memref<128xi32, #tpu.memory_space<vmem>>) semaphore(%arg20 : memref<!tpu.dma_semaphore, #tpu.memory_space<semaphore_mem>>)
    %dma_wait3A_67 = tpu.memref_slice %arg2[%mul3A_2] : memref<16384xf32, #tpu.memory_space<hbm>> -> memref<512xf32, #tpu.memory_space<hbm>>
    %dma_wait3A_68 = tpu.memref_slice %arg2[%mul3A_2] : memref<16384xf32, #tpu.memory_space<hbm>> -> memref<512xf32, #tpu.memory_space<hbm>>
    tpu.wait_dma2 semaphore(%arg19 : memref<!tpu.dma_semaphore, #tpu.memory_space<semaphore_mem>>) src(%dma_wait3A_68 : memref<512xf32, #tpu.memory_space<hbm>>) dst(%arg11 : memref<512xf32, #tpu.memory_space<vmem>>)
    %dma_wait3A_69 = tpu.memref_slice %arg4[%mul3A_2] : memref<16384xf32, #tpu.memory_space<hbm>> -> memref<512xf32, #tpu.memory_space<hbm>>
    %dma_wait3A_70 = tpu.memref_slice %arg4[%mul3A_2] : memref<16384xf32, #tpu.memory_space<hbm>> -> memref<512xf32, #tpu.memory_space<hbm>>
    tpu.wait_dma2 semaphore(%arg19 : memref<!tpu.dma_semaphore, #tpu.memory_space<semaphore_mem>>) src(%dma_wait3A_70 : memref<512xf32, #tpu.memory_space<hbm>>) dst(%arg12 : memref<512xf32, #tpu.memory_space<vmem>>)
    %dma_wait3A_71 = tpu.memref_slice %arg5[%mul3A_4] : memref<16384xf32, #tpu.memory_space<hbm>> -> memref<512xf32, #tpu.memory_space<hbm>>
    %dma_wait3A_72 = tpu.memref_slice %arg5[%mul3A_4] : memref<16384xf32, #tpu.memory_space<hbm>> -> memref<512xf32, #tpu.memory_space<hbm>>
    tpu.wait_dma2 semaphore(%arg19 : memref<!tpu.dma_semaphore, #tpu.memory_space<semaphore_mem>>) src(%dma_wait3A_72 : memref<512xf32, #tpu.memory_space<hbm>>) dst(%arg15 : memref<512xf32, #tpu.memory_space<vmem>>)
    %dma_wait3A_73 = tpu.memref_slice %arg7[%mul3A_4] : memref<16384xf32, #tpu.memory_space<hbm>> -> memref<512xf32, #tpu.memory_space<hbm>>
    %dma_wait3A_74 = tpu.memref_slice %arg7[%mul3A_4] : memref<16384xf32, #tpu.memory_space<hbm>> -> memref<512xf32, #tpu.memory_space<hbm>>
    tpu.wait_dma2 semaphore(%arg19 : memref<!tpu.dma_semaphore, #tpu.memory_space<semaphore_mem>>) src(%dma_wait3A_74 : memref<512xf32, #tpu.memory_space<hbm>>) dst(%arg16 : memref<512xf32, #tpu.memory_space<vmem>>)
    %dma_wait3A_75 = arith.constant 0 : i32
    %dma_wait3A_76 = tpu.memref_slice %arg10[%dma_wait3A_75] : memref<512xf32, #tpu.memory_space<vmem>> -> memref<128xf32, #tpu.memory_space<vmem>>
    %dma_wait3A_77 = arith.constant 0 : i32
    %dma_wait3A_78 = tpu.memref_slice %arg9[%dma_wait3A_77] : memref<512xi32, #tpu.memory_space<vmem>> -> memref<128xi32, #tpu.memory_space<vmem>>
    %dma_wait3A_79 = arith.constant 0 : i32
    %dma_wait3A_80 = tpu.memref_slice %arg7[%dma_wait3A_79] : memref<16384xf32, #tpu.memory_space<hbm>> -> memref<16384xf32, #tpu.memory_space<hbm>>
    tpu.wait_indirect_dma semaphore(%arg20 : memref<!tpu.dma_semaphore, #tpu.memory_space<semaphore_mem>>) src(%dma_wait3A_80 : memref<16384xf32, #tpu.memory_space<hbm>>) dst(%dma_wait3A_76 : memref<128xf32, #tpu.memory_space<vmem>>)
    %dma_wait3A_81 = arith.constant 128 : i32
    %dma_wait3A_82 = tpu.memref_slice %arg10[%dma_wait3A_81] : memref<512xf32, #tpu.memory_space<vmem>> -> memref<128xf32, #tpu.memory_space<vmem>>
    %dma_wait3A_83 = arith.constant 128 : i32
    %dma_wait3A_84 = tpu.memref_slice %arg9[%dma_wait3A_83] : memref<512xi32, #tpu.memory_space<vmem>> -> memref<128xi32, #tpu.memory_space<vmem>>
    %dma_wait3A_85 = arith.constant 0 : i32
    %dma_wait3A_86 = tpu.memref_slice %arg7[%dma_wait3A_85] : memref<16384xf32, #tpu.memory_space<hbm>> -> memref<16384xf32, #tpu.memory_space<hbm>>
    tpu.wait_indirect_dma semaphore(%arg20 : memref<!tpu.dma_semaphore, #tpu.memory_space<semaphore_mem>>) src(%dma_wait3A_86 : memref<16384xf32, #tpu.memory_space<hbm>>) dst(%dma_wait3A_82 : memref<128xf32, #tpu.memory_space<vmem>>)
    %dma_wait3A_87 = arith.constant 256 : i32
    %dma_wait3A_88 = tpu.memref_slice %arg10[%dma_wait3A_87] : memref<512xf32, #tpu.memory_space<vmem>> -> memref<128xf32, #tpu.memory_space<vmem>>
    %dma_wait3A_89 = arith.constant 256 : i32
    %dma_wait3A_90 = tpu.memref_slice %arg9[%dma_wait3A_89] : memref<512xi32, #tpu.memory_space<vmem>> -> memref<128xi32, #tpu.memory_space<vmem>>
    %dma_wait3A_91 = arith.constant 0 : i32
    %dma_wait3A_92 = tpu.memref_slice %arg7[%dma_wait3A_91] : memref<16384xf32, #tpu.memory_space<hbm>> -> memref<16384xf32, #tpu.memory_space<hbm>>
    tpu.wait_indirect_dma semaphore(%arg20 : memref<!tpu.dma_semaphore, #tpu.memory_space<semaphore_mem>>) src(%dma_wait3A_92 : memref<16384xf32, #tpu.memory_space<hbm>>) dst(%dma_wait3A_88 : memref<128xf32, #tpu.memory_space<vmem>>)
    %dma_wait3A_93 = arith.constant 384 : i32
    %dma_wait3A_94 = tpu.memref_slice %arg10[%dma_wait3A_93] : memref<512xf32, #tpu.memory_space<vmem>> -> memref<128xf32, #tpu.memory_space<vmem>>
    %dma_wait3A_95 = arith.constant 384 : i32
    %dma_wait3A_96 = tpu.memref_slice %arg9[%dma_wait3A_95] : memref<512xi32, #tpu.memory_space<vmem>> -> memref<128xi32, #tpu.memory_space<vmem>>
    %dma_wait3A_97 = arith.constant 0 : i32
    %dma_wait3A_98 = tpu.memref_slice %arg7[%dma_wait3A_97] : memref<16384xf32, #tpu.memory_space<hbm>> -> memref<16384xf32, #tpu.memory_space<hbm>>
    tpu.wait_indirect_dma semaphore(%arg20 : memref<!tpu.dma_semaphore, #tpu.memory_space<semaphore_mem>>) src(%dma_wait3A_98 : memref<16384xf32, #tpu.memory_space<hbm>>) dst(%dma_wait3A_94 : memref<128xf32, #tpu.memory_space<vmem>>)
    %dma_wait3A_99 = arith.constant 0 : i32
    %dma_wait3A_100 = tpu.memref_slice %arg14[%dma_wait3A_99] : memref<512xf32, #tpu.memory_space<vmem>> -> memref<128xf32, #tpu.memory_space<vmem>>
    %dma_wait3A_101 = arith.constant 0 : i32
    %dma_wait3A_102 = tpu.memref_slice %arg13[%dma_wait3A_101] : memref<512xi32, #tpu.memory_space<vmem>> -> memref<128xi32, #tpu.memory_space<vmem>>
    %dma_wait3A_103 = arith.constant 0 : i32
    %dma_wait3A_104 = tpu.memref_slice %arg4[%dma_wait3A_103] : memref<16384xf32, #tpu.memory_space<hbm>> -> memref<16384xf32, #tpu.memory_space<hbm>>
    tpu.wait_indirect_dma semaphore(%arg20 : memref<!tpu.dma_semaphore, #tpu.memory_space<semaphore_mem>>) src(%dma_wait3A_104 : memref<16384xf32, #tpu.memory_space<hbm>>) dst(%dma_wait3A_100 : memref<128xf32, #tpu.memory_space<vmem>>)
    %dma_wait3A_105 = arith.constant 128 : i32
    %dma_wait3A_106 = tpu.memref_slice %arg14[%dma_wait3A_105] : memref<512xf32, #tpu.memory_space<vmem>> -> memref<128xf32, #tpu.memory_space<vmem>>
    %dma_wait3A_107 = arith.constant 128 : i32
    %dma_wait3A_108 = tpu.memref_slice %arg13[%dma_wait3A_107] : memref<512xi32, #tpu.memory_space<vmem>> -> memref<128xi32, #tpu.memory_space<vmem>>
    %dma_wait3A_109 = arith.constant 0 : i32
    %dma_wait3A_110 = tpu.memref_slice %arg4[%dma_wait3A_109] : memref<16384xf32, #tpu.memory_space<hbm>> -> memref<16384xf32, #tpu.memory_space<hbm>>
    tpu.wait_indirect_dma semaphore(%arg20 : memref<!tpu.dma_semaphore, #tpu.memory_space<semaphore_mem>>) src(%dma_wait3A_110 : memref<16384xf32, #tpu.memory_space<hbm>>) dst(%dma_wait3A_106 : memref<128xf32, #tpu.memory_space<vmem>>)
    %dma_wait3A_111 = arith.constant 256 : i32
    %dma_wait3A_112 = tpu.memref_slice %arg14[%dma_wait3A_111] : memref<512xf32, #tpu.memory_space<vmem>> -> memref<128xf32, #tpu.memory_space<vmem>>
    %dma_wait3A_113 = arith.constant 256 : i32
    %dma_wait3A_114 = tpu.memref_slice %arg13[%dma_wait3A_113] : memref<512xi32, #tpu.memory_space<vmem>> -> memref<128xi32, #tpu.memory_space<vmem>>
    %dma_wait3A_115 = arith.constant 0 : i32
    %dma_wait3A_116 = tpu.memref_slice %arg4[%dma_wait3A_115] : memref<16384xf32, #tpu.memory_space<hbm>> -> memref<16384xf32, #tpu.memory_space<hbm>>
    tpu.wait_indirect_dma semaphore(%arg20 : memref<!tpu.dma_semaphore, #tpu.memory_space<semaphore_mem>>) src(%dma_wait3A_116 : memref<16384xf32, #tpu.memory_space<hbm>>) dst(%dma_wait3A_112 : memref<128xf32, #tpu.memory_space<vmem>>)
    %dma_wait3A_117 = arith.constant 384 : i32
    %dma_wait3A_118 = tpu.memref_slice %arg14[%dma_wait3A_117] : memref<512xf32, #tpu.memory_space<vmem>> -> memref<128xf32, #tpu.memory_space<vmem>>
    %dma_wait3A_119 = arith.constant 384 : i32
    %dma_wait3A_120 = tpu.memref_slice %arg13[%dma_wait3A_119] : memref<512xi32, #tpu.memory_space<vmem>> -> memref<128xi32, #tpu.memory_space<vmem>>
    %dma_wait3A_121 = arith.constant 0 : i32
    %dma_wait3A_122 = tpu.memref_slice %arg4[%dma_wait3A_121] : memref<16384xf32, #tpu.memory_space<hbm>> -> memref<16384xf32, #tpu.memory_space<hbm>>
    tpu.wait_indirect_dma semaphore(%arg20 : memref<!tpu.dma_semaphore, #tpu.memory_space<semaphore_mem>>) src(%dma_wait3A_122 : memref<16384xf32, #tpu.memory_space<hbm>>) dst(%dma_wait3A_118 : memref<128xf32, #tpu.memory_space<vmem>>)
    %broadcast_in_dim3A = arith.constant 0.000000e+00 : f32
    %broadcast_in_dim3A_123 = vector.broadcast %broadcast_in_dim3A : f32 to vector<16xf32>
    %get3A = arith.constant 0 : index
    %get3A_124 = tpu.vector_load %arg11[%get3A] {strides = array<i32>} : memref<512xf32, #tpu.memory_space<vmem>>, vector<16xf32>,
    %get3A_125 = vector.shape_cast %get3A_124 : vector<16xf32> to vector<16xf32>
    %get3A_126 = arith.constant 0 : index
    %get3A_127 = tpu.vector_load %arg12[%get3A_126] {strides = array<i32>} : memref<512xf32, #tpu.memory_space<vmem>>, vector<16xf32>,
    %get3A_128 = vector.shape_cast %get3A_127 : vector<16xf32> to vector<16xf32>
    %get3A_129 = arith.constant 0 : index
    %get3A_130 = tpu.vector_load %arg10[%get3A_129] {strides = array<i32>} : memref<512xf32, #tpu.memory_space<vmem>>, vector<16xf32>,
    %get3A_131 = vector.shape_cast %get3A_130 : vector<16xf32> to vector<16xf32>
    %add3A_132 = arith.addf %get3A_128, %get3A_131 : vector<16xf32>
    %mul3A_133 = arith.mulf %get3A_125, %add3A_132 : vector<16xf32>
    %add3A_134 = arith.addf %broadcast_in_dim3A_123, %mul3A_133 : vector<16xf32>
    %get3A_135 = arith.constant 16 : index
    %get3A_136 = tpu.vector_load %arg11[%get3A_135] {strides = array<i32>} : memref<512xf32, #tpu.memory_space<vmem>>, vector<16xf32>,
    %get3A_137 = vector.shape_cast %get3A_136 : vector<16xf32> to vector<16xf32>
    %get3A_138 = arith.constant 16 : index
    %get3A_139 = tpu.vector_load %arg12[%get3A_138] {strides = array<i32>} : memref<512xf32, #tpu.memory_space<vmem>>, vector<16xf32>,
    %get3A_140 = vector.shape_cast %get3A_139 : vector<16xf32> to vector<16xf32>
    %get3A_141 = arith.constant 16 : index
    %get3A_142 = tpu.vector_load %arg10[%get3A_141] {strides = array<i32>} : memref<512xf32, #tpu.memory_space<vmem>>, vector<16xf32>,
    %get3A_143 = vector.shape_cast %get3A_142 : vector<16xf32> to vector<16xf32>
    %add3A_144 = arith.addf %get3A_140, %get3A_143 : vector<16xf32>
    %mul3A_145 = arith.mulf %get3A_137, %add3A_144 : vector<16xf32>
    %add3A_146 = arith.addf %add3A_134, %mul3A_145 : vector<16xf32>
    %get3A_147 = arith.constant 32 : index
    %get3A_148 = tpu.vector_load %arg11[%get3A_147] {strides = array<i32>} : memref<512xf32, #tpu.memory_space<vmem>>, vector<16xf32>,
    %get3A_149 = vector.shape_cast %get3A_148 : vector<16xf32> to vector<16xf32>
    %get3A_150 = arith.constant 32 : index
    %get3A_151 = tpu.vector_load %arg12[%get3A_150] {strides = array<i32>} : memref<512xf32, #tpu.memory_space<vmem>>, vector<16xf32>,
    %get3A_152 = vector.shape_cast %get3A_151 : vector<16xf32> to vector<16xf32>
    %get3A_153 = arith.constant 32 : index
    %get3A_154 = tpu.vector_load %arg10[%get3A_153] {strides = array<i32>} : memref<512xf32, #tpu.memory_space<vmem>>, vector<16xf32>,
    %get3A_155 = vector.shape_cast %get3A_154 : vector<16xf32> to vector<16xf32>
    %add3A_156 = arith.addf %get3A_152, %get3A_155 : vector<16xf32>
    %mul3A_157 = arith.mulf %get3A_149, %add3A_156 : vector<16xf32>
    %add3A_158 = arith.addf %add3A_146, %mul3A_157 : vector<16xf32>
    %get3A_159 = arith.constant 48 : index
    %get3A_160 = tpu.vector_load %arg11[%get3A_159] {strides = array<i32>} : memref<512xf32, #tpu.memory_space<vmem>>, vector<16xf32>,
    %get3A_161 = vector.shape_cast %get3A_160 : vector<16xf32> to vector<16xf32>
    %get3A_162 = arith.constant 48 : index
    %get3A_163 = tpu.vector_load %arg12[%get3A_162] {strides = array<i32>} : memref<512xf32, #tpu.memory_space<vmem>>, vector<16xf32>,
    %get3A_164 = vector.shape_cast %get3A_163 : vector<16xf32> to vector<16xf32>
    %get3A_165 = arith.constant 48 : index
    %get3A_166 = tpu.vector_load %arg10[%get3A_165] {strides = array<i32>} : memref<512xf32, #tpu.memory_space<vmem>>, vector<16xf32>,
    %get3A_167 = vector.shape_cast %get3A_166 : vector<16xf32> to vector<16xf32>
    %add3A_168 = arith.addf %get3A_164, %get3A_167 : vector<16xf32>
    %mul3A_169 = arith.mulf %get3A_161, %add3A_168 : vector<16xf32>
    %add3A_170 = arith.addf %add3A_158, %mul3A_169 : vector<16xf32>
    %get3A_171 = arith.constant 64 : index
    %get3A_172 = tpu.vector_load %arg11[%get3A_171] {strides = array<i32>} : memref<512xf32, #tpu.memory_space<vmem>>, vector<16xf32>,
    %get3A_173 = vector.shape_cast %get3A_172 : vector<16xf32> to vector<16xf32>
    %get3A_174 = arith.constant 64 : index
    %get3A_175 = tpu.vector_load %arg12[%get3A_174] {strides = array<i32>} : memref<512xf32, #tpu.memory_space<vmem>>, vector<16xf32>,
    %get3A_176 = vector.shape_cast %get3A_175 : vector<16xf32> to vector<16xf32>
    %get3A_177 = arith.constant 64 : index
    %get3A_178 = tpu.vector_load %arg10[%get3A_177] {strides = array<i32>} : memref<512xf32, #tpu.memory_space<vmem>>, vector<16xf32>,
    %get3A_179 = vector.shape_cast %get3A_178 : vector<16xf32> to vector<16xf32>
    %add3A_180 = arith.addf %get3A_176, %get3A_179 : vector<16xf32>
    %mul3A_181 = arith.mulf %get3A_173, %add3A_180 : vector<16xf32>
    %add3A_182 = arith.addf %add3A_170, %mul3A_181 : vector<16xf32>
    %get3A_183 = arith.constant 80 : index
    %get3A_184 = tpu.vector_load %arg11[%get3A_183] {strides = array<i32>} : memref<512xf32, #tpu.memory_space<vmem>>, vector<16xf32>,
    %get3A_185 = vector.shape_cast %get3A_184 : vector<16xf32> to vector<16xf32>
    %get3A_186 = arith.constant 80 : index
    %get3A_187 = tpu.vector_load %arg12[%get3A_186] {strides = array<i32>} : memref<512xf32, #tpu.memory_space<vmem>>, vector<16xf32>,
    %get3A_188 = vector.shape_cast %get3A_187 : vector<16xf32> to vector<16xf32>
    %get3A_189 = arith.constant 80 : index
    %get3A_190 = tpu.vector_load %arg10[%get3A_189] {strides = array<i32>} : memref<512xf32, #tpu.memory_space<vmem>>, vector<16xf32>,
    %get3A_191 = vector.shape_cast %get3A_190 : vector<16xf32> to vector<16xf32>
    %add3A_192 = arith.addf %get3A_188, %get3A_191 : vector<16xf32>
    %mul3A_193 = arith.mulf %get3A_185, %add3A_192 : vector<16xf32>
    %add3A_194 = arith.addf %add3A_182, %mul3A_193 : vector<16xf32>
    %get3A_195 = arith.constant 96 : index
    %get3A_196 = tpu.vector_load %arg11[%get3A_195] {strides = array<i32>} : memref<512xf32, #tpu.memory_space<vmem>>, vector<16xf32>,
    %get3A_197 = vector.shape_cast %get3A_196 : vector<16xf32> to vector<16xf32>
    %get3A_198 = arith.constant 96 : index
    %get3A_199 = tpu.vector_load %arg12[%get3A_198] {strides = array<i32>} : memref<512xf32, #tpu.memory_space<vmem>>, vector<16xf32>,
    %get3A_200 = vector.shape_cast %get3A_199 : vector<16xf32> to vector<16xf32>
    %get3A_201 = arith.constant 96 : index
    %get3A_202 = tpu.vector_load %arg10[%get3A_201] {strides = array<i32>} : memref<512xf32, #tpu.memory_space<vmem>>, vector<16xf32>,
    %get3A_203 = vector.shape_cast %get3A_202 : vector<16xf32> to vector<16xf32>
    %add3A_204 = arith.addf %get3A_200, %get3A_203 : vector<16xf32>
    %mul3A_205 = arith.mulf %get3A_197, %add3A_204 : vector<16xf32>
    %add3A_206 = arith.addf %add3A_194, %mul3A_205 : vector<16xf32>
    %get3A_207 = arith.constant 112 : index
    %get3A_208 = tpu.vector_load %arg11[%get3A_207] {strides = array<i32>} : memref<512xf32, #tpu.memory_space<vmem>>, vector<16xf32>,
    %get3A_209 = vector.shape_cast %get3A_208 : vector<16xf32> to vector<16xf32>
    %get3A_210 = arith.constant 112 : index
    %get3A_211 = tpu.vector_load %arg12[%get3A_210] {strides = array<i32>} : memref<512xf32, #tpu.memory_space<vmem>>, vector<16xf32>,
    %get3A_212 = vector.shape_cast %get3A_211 : vector<16xf32> to vector<16xf32>
    %get3A_213 = arith.constant 112 : index
    %get3A_214 = tpu.vector_load %arg10[%get3A_213] {strides = array<i32>} : memref<512xf32, #tpu.memory_space<vmem>>, vector<16xf32>,
    %get3A_215 = vector.shape_cast %get3A_214 : vector<16xf32> to vector<16xf32>
    %add3A_216 = arith.addf %get3A_212, %get3A_215 : vector<16xf32>
    %mul3A_217 = arith.mulf %get3A_209, %add3A_216 : vector<16xf32>
    %add3A_218 = arith.addf %add3A_206, %mul3A_217 : vector<16xf32>
    %get3A_219 = arith.constant 128 : index
    %get3A_220 = tpu.vector_load %arg11[%get3A_219] {strides = array<i32>} : memref<512xf32, #tpu.memory_space<vmem>>, vector<16xf32>,
    %get3A_221 = vector.shape_cast %get3A_220 : vector<16xf32> to vector<16xf32>
    %get3A_222 = arith.constant 128 : index
    %get3A_223 = tpu.vector_load %arg12[%get3A_222] {strides = array<i32>} : memref<512xf32, #tpu.memory_space<vmem>>, vector<16xf32>,
    %get3A_224 = vector.shape_cast %get3A_223 : vector<16xf32> to vector<16xf32>
    %get3A_225 = arith.constant 128 : index
    %get3A_226 = tpu.vector_load %arg10[%get3A_225] {strides = array<i32>} : memref<512xf32, #tpu.memory_space<vmem>>, vector<16xf32>,
    %get3A_227 = vector.shape_cast %get3A_226 : vector<16xf32> to vector<16xf32>
    %add3A_228 = arith.addf %get3A_224, %get3A_227 : vector<16xf32>
    %mul3A_229 = arith.mulf %get3A_221, %add3A_228 : vector<16xf32>
    %add3A_230 = arith.addf %add3A_218, %mul3A_229 : vector<16xf32>
    %get3A_231 = arith.constant 144 : index
    %get3A_232 = tpu.vector_load %arg11[%get3A_231] {strides = array<i32>} : memref<512xf32, #tpu.memory_space<vmem>>, vector<16xf32>,
    %get3A_233 = vector.shape_cast %get3A_232 : vector<16xf32> to vector<16xf32>
    %get3A_234 = arith.constant 144 : index
    %get3A_235 = tpu.vector_load %arg12[%get3A_234] {strides = array<i32>} : memref<512xf32, #tpu.memory_space<vmem>>, vector<16xf32>,
    %get3A_236 = vector.shape_cast %get3A_235 : vector<16xf32> to vector<16xf32>
    %get3A_237 = arith.constant 144 : index
    %get3A_238 = tpu.vector_load %arg10[%get3A_237] {strides = array<i32>} : memref<512xf32, #tpu.memory_space<vmem>>, vector<16xf32>,
    %get3A_239 = vector.shape_cast %get3A_238 : vector<16xf32> to vector<16xf32>
    %add3A_240 = arith.addf %get3A_236, %get3A_239 : vector<16xf32>
    %mul3A_241 = arith.mulf %get3A_233, %add3A_240 : vector<16xf32>
    %add3A_242 = arith.addf %add3A_230, %mul3A_241 : vector<16xf32>
    %get3A_243 = arith.constant 160 : index
    %get3A_244 = tpu.vector_load %arg11[%get3A_243] {strides = array<i32>} : memref<512xf32, #tpu.memory_space<vmem>>, vector<16xf32>,
    %get3A_245 = vector.shape_cast %get3A_244 : vector<16xf32> to vector<16xf32>
    %get3A_246 = arith.constant 160 : index
    %get3A_247 = tpu.vector_load %arg12[%get3A_246] {strides = array<i32>} : memref<512xf32, #tpu.memory_space<vmem>>, vector<16xf32>,
    %get3A_248 = vector.shape_cast %get3A_247 : vector<16xf32> to vector<16xf32>
    %get3A_249 = arith.constant 160 : index
    %get3A_250 = tpu.vector_load %arg10[%get3A_249] {strides = array<i32>} : memref<512xf32, #tpu.memory_space<vmem>>, vector<16xf32>,
    %get3A_251 = vector.shape_cast %get3A_250 : vector<16xf32> to vector<16xf32>
    %add3A_252 = arith.addf %get3A_248, %get3A_251 : vector<16xf32>
    %mul3A_253 = arith.mulf %get3A_245, %add3A_252 : vector<16xf32>
    %add3A_254 = arith.addf %add3A_242, %mul3A_253 : vector<16xf32>
    %get3A_255 = arith.constant 176 : index
    %get3A_256 = tpu.vector_load %arg11[%get3A_255] {strides = array<i32>} : memref<512xf32, #tpu.memory_space<vmem>>, vector<16xf32>,
    %get3A_257 = vector.shape_cast %get3A_256 : vector<16xf32> to vector<16xf32>
    %get3A_258 = arith.constant 176 : index
    %get3A_259 = tpu.vector_load %arg12[%get3A_258] {strides = array<i32>} : memref<512xf32, #tpu.memory_space<vmem>>, vector<16xf32>,
    %get3A_260 = vector.shape_cast %get3A_259 : vector<16xf32> to vector<16xf32>
    %get3A_261 = arith.constant 176 : index
    %get3A_262 = tpu.vector_load %arg10[%get3A_261] {strides = array<i32>} : memref<512xf32, #tpu.memory_space<vmem>>, vector<16xf32>,
    %get3A_263 = vector.shape_cast %get3A_262 : vector<16xf32> to vector<16xf32>
    %add3A_264 = arith.addf %get3A_260, %get3A_263 : vector<16xf32>
    %mul3A_265 = arith.mulf %get3A_257, %add3A_264 : vector<16xf32>
    %add3A_266 = arith.addf %add3A_254, %mul3A_265 : vector<16xf32>
    %get3A_267 = arith.constant 192 : index
    %get3A_268 = tpu.vector_load %arg11[%get3A_267] {strides = array<i32>} : memref<512xf32, #tpu.memory_space<vmem>>, vector<16xf32>,
    %get3A_269 = vector.shape_cast %get3A_268 : vector<16xf32> to vector<16xf32>
    %get3A_270 = arith.constant 192 : index
    %get3A_271 = tpu.vector_load %arg12[%get3A_270] {strides = array<i32>} : memref<512xf32, #tpu.memory_space<vmem>>, vector<16xf32>,
    %get3A_272 = vector.shape_cast %get3A_271 : vector<16xf32> to vector<16xf32>
    %get3A_273 = arith.constant 192 : index
    %get3A_274 = tpu.vector_load %arg10[%get3A_273] {strides = array<i32>} : memref<512xf32, #tpu.memory_space<vmem>>, vector<16xf32>,
    %get3A_275 = vector.shape_cast %get3A_274 : vector<16xf32> to vector<16xf32>
    %add3A_276 = arith.addf %get3A_272, %get3A_275 : vector<16xf32>
    %mul3A_277 = arith.mulf %get3A_269, %add3A_276 : vector<16xf32>
    %add3A_278 = arith.addf %add3A_266, %mul3A_277 : vector<16xf32>
    %get3A_279 = arith.constant 208 : index
    %get3A_280 = tpu.vector_load %arg11[%get3A_279] {strides = array<i32>} : memref<512xf32, #tpu.memory_space<vmem>>, vector<16xf32>,
    %get3A_281 = vector.shape_cast %get3A_280 : vector<16xf32> to vector<16xf32>
    %get3A_282 = arith.constant 208 : index
    %get3A_283 = tpu.vector_load %arg12[%get3A_282] {strides = array<i32>} : memref<512xf32, #tpu.memory_space<vmem>>, vector<16xf32>,
    %get3A_284 = vector.shape_cast %get3A_283 : vector<16xf32> to vector<16xf32>
    %get3A_285 = arith.constant 208 : index
    %get3A_286 = tpu.vector_load %arg10[%get3A_285] {strides = array<i32>} : memref<512xf32, #tpu.memory_space<vmem>>, vector<16xf32>,
    %get3A_287 = vector.shape_cast %get3A_286 : vector<16xf32> to vector<16xf32>
    %add3A_288 = arith.addf %get3A_284, %get3A_287 : vector<16xf32>
    %mul3A_289 = arith.mulf %get3A_281, %add3A_288 : vector<16xf32>
    %add3A_290 = arith.addf %add3A_278, %mul3A_289 : vector<16xf32>
    %get3A_291 = arith.constant 224 : index
    %get3A_292 = tpu.vector_load %arg11[%get3A_291] {strides = array<i32>} : memref<512xf32, #tpu.memory_space<vmem>>, vector<16xf32>,
    %get3A_293 = vector.shape_cast %get3A_292 : vector<16xf32> to vector<16xf32>
    %get3A_294 = arith.constant 224 : index
    %get3A_295 = tpu.vector_load %arg12[%get3A_294] {strides = array<i32>} : memref<512xf32, #tpu.memory_space<vmem>>, vector<16xf32>,
    %get3A_296 = vector.shape_cast %get3A_295 : vector<16xf32> to vector<16xf32>
    %get3A_297 = arith.constant 224 : index
    %get3A_298 = tpu.vector_load %arg10[%get3A_297] {strides = array<i32>} : memref<512xf32, #tpu.memory_space<vmem>>, vector<16xf32>,
    %get3A_299 = vector.shape_cast %get3A_298 : vector<16xf32> to vector<16xf32>
    %add3A_300 = arith.addf %get3A_296, %get3A_299 : vector<16xf32>
    %mul3A_301 = arith.mulf %get3A_293, %add3A_300 : vector<16xf32>
    %add3A_302 = arith.addf %add3A_290, %mul3A_301 : vector<16xf32>
    %get3A_303 = arith.constant 240 : index
    %get3A_304 = tpu.vector_load %arg11[%get3A_303] {strides = array<i32>} : memref<512xf32, #tpu.memory_space<vmem>>, vector<16xf32>,
    %get3A_305 = vector.shape_cast %get3A_304 : vector<16xf32> to vector<16xf32>
    %get3A_306 = arith.constant 240 : index
    %get3A_307 = tpu.vector_load %arg12[%get3A_306] {strides = array<i32>} : memref<512xf32, #tpu.memory_space<vmem>>, vector<16xf32>,
    %get3A_308 = vector.shape_cast %get3A_307 : vector<16xf32> to vector<16xf32>
    %get3A_309 = arith.constant 240 : index
    %get3A_310 = tpu.vector_load %arg10[%get3A_309] {strides = array<i32>} : memref<512xf32, #tpu.memory_space<vmem>>, vector<16xf32>,
    %get3A_311 = vector.shape_cast %get3A_310 : vector<16xf32> to vector<16xf32>
    %add3A_312 = arith.addf %get3A_308, %get3A_311 : vector<16xf32>
    %mul3A_313 = arith.mulf %get3A_305, %add3A_312 : vector<16xf32>
    %add3A_314 = arith.addf %add3A_302, %mul3A_313 : vector<16xf32>
    %get3A_315 = arith.constant 256 : index
    %get3A_316 = tpu.vector_load %arg11[%get3A_315] {strides = array<i32>} : memref<512xf32, #tpu.memory_space<vmem>>, vector<16xf32>,
    %get3A_317 = vector.shape_cast %get3A_316 : vector<16xf32> to vector<16xf32>
    %get3A_318 = arith.constant 256 : index
    %get3A_319 = tpu.vector_load %arg12[%get3A_318] {strides = array<i32>} : memref<512xf32, #tpu.memory_space<vmem>>, vector<16xf32>,
    %get3A_320 = vector.shape_cast %get3A_319 : vector<16xf32> to vector<16xf32>
    %get3A_321 = arith.constant 256 : index
    %get3A_322 = tpu.vector_load %arg10[%get3A_321] {strides = array<i32>} : memref<512xf32, #tpu.memory_space<vmem>>, vector<16xf32>,
    %get3A_323 = vector.shape_cast %get3A_322 : vector<16xf32> to vector<16xf32>
    %add3A_324 = arith.addf %get3A_320, %get3A_323 : vector<16xf32>
    %mul3A_325 = arith.mulf %get3A_317, %add3A_324 : vector<16xf32>
    %add3A_326 = arith.addf %add3A_314, %mul3A_325 : vector<16xf32>
    %get3A_327 = arith.constant 272 : index
    %get3A_328 = tpu.vector_load %arg11[%get3A_327] {strides = array<i32>} : memref<512xf32, #tpu.memory_space<vmem>>, vector<16xf32>,
    %get3A_329 = vector.shape_cast %get3A_328 : vector<16xf32> to vector<16xf32>
    %get3A_330 = arith.constant 272 : index
    %get3A_331 = tpu.vector_load %arg12[%get3A_330] {strides = array<i32>} : memref<512xf32, #tpu.memory_space<vmem>>, vector<16xf32>,
    %get3A_332 = vector.shape_cast %get3A_331 : vector<16xf32> to vector<16xf32>
    %get3A_333 = arith.constant 272 : index
    %get3A_334 = tpu.vector_load %arg10[%get3A_333] {strides = array<i32>} : memref<512xf32, #tpu.memory_space<vmem>>, vector<16xf32>,
    %get3A_335 = vector.shape_cast %get3A_334 : vector<16xf32> to vector<16xf32>
    %add3A_336 = arith.addf %get3A_332, %get3A_335 : vector<16xf32>
    %mul3A_337 = arith.mulf %get3A_329, %add3A_336 : vector<16xf32>
    %add3A_338 = arith.addf %add3A_326, %mul3A_337 : vector<16xf32>
    %get3A_339 = arith.constant 288 : index
    %get3A_340 = tpu.vector_load %arg11[%get3A_339] {strides = array<i32>} : memref<512xf32, #tpu.memory_space<vmem>>, vector<16xf32>,
    %get3A_341 = vector.shape_cast %get3A_340 : vector<16xf32> to vector<16xf32>
    %get3A_342 = arith.constant 288 : index
    %get3A_343 = tpu.vector_load %arg12[%get3A_342] {strides = array<i32>} : memref<512xf32, #tpu.memory_space<vmem>>, vector<16xf32>,
    %get3A_344 = vector.shape_cast %get3A_343 : vector<16xf32> to vector<16xf32>
    %get3A_345 = arith.constant 288 : index
    %get3A_346 = tpu.vector_load %arg10[%get3A_345] {strides = array<i32>} : memref<512xf32, #tpu.memory_space<vmem>>, vector<16xf32>,
    %get3A_347 = vector.shape_cast %get3A_346 : vector<16xf32> to vector<16xf32>
    %add3A_348 = arith.addf %get3A_344, %get3A_347 : vector<16xf32>
    %mul3A_349 = arith.mulf %get3A_341, %add3A_348 : vector<16xf32>
    %add3A_350 = arith.addf %add3A_338, %mul3A_349 : vector<16xf32>
    %get3A_351 = arith.constant 304 : index
    %get3A_352 = tpu.vector_load %arg11[%get3A_351] {strides = array<i32>} : memref<512xf32, #tpu.memory_space<vmem>>, vector<16xf32>,
    %get3A_353 = vector.shape_cast %get3A_352 : vector<16xf32> to vector<16xf32>
    %get3A_354 = arith.constant 304 : index
    %get3A_355 = tpu.vector_load %arg12[%get3A_354] {strides = array<i32>} : memref<512xf32, #tpu.memory_space<vmem>>, vector<16xf32>,
    %get3A_356 = vector.shape_cast %get3A_355 : vector<16xf32> to vector<16xf32>
    %get3A_357 = arith.constant 304 : index
    %get3A_358 = tpu.vector_load %arg10[%get3A_357] {strides = array<i32>} : memref<512xf32, #tpu.memory_space<vmem>>, vector<16xf32>,
    %get3A_359 = vector.shape_cast %get3A_358 : vector<16xf32> to vector<16xf32>
    %add3A_360 = arith.addf %get3A_356, %get3A_359 : vector<16xf32>
    %mul3A_361 = arith.mulf %get3A_353, %add3A_360 : vector<16xf32>
    %add3A_362 = arith.addf %add3A_350, %mul3A_361 : vector<16xf32>
    %get3A_363 = arith.constant 320 : index
    %get3A_364 = tpu.vector_load %arg11[%get3A_363] {strides = array<i32>} : memref<512xf32, #tpu.memory_space<vmem>>, vector<16xf32>,
    %get3A_365 = vector.shape_cast %get3A_364 : vector<16xf32> to vector<16xf32>
    %get3A_366 = arith.constant 320 : index
    %get3A_367 = tpu.vector_load %arg12[%get3A_366] {strides = array<i32>} : memref<512xf32, #tpu.memory_space<vmem>>, vector<16xf32>,
    %get3A_368 = vector.shape_cast %get3A_367 : vector<16xf32> to vector<16xf32>
    %get3A_369 = arith.constant 320 : index
    %get3A_370 = tpu.vector_load %arg10[%get3A_369] {strides = array<i32>} : memref<512xf32, #tpu.memory_space<vmem>>, vector<16xf32>,
    %get3A_371 = vector.shape_cast %get3A_370 : vector<16xf32> to vector<16xf32>
    %add3A_372 = arith.addf %get3A_368, %get3A_371 : vector<16xf32>
    %mul3A_373 = arith.mulf %get3A_365, %add3A_372 : vector<16xf32>
    %add3A_374 = arith.addf %add3A_362, %mul3A_373 : vector<16xf32>
    %get3A_375 = arith.constant 336 : index
    %get3A_376 = tpu.vector_load %arg11[%get3A_375] {strides = array<i32>} : memref<512xf32, #tpu.memory_space<vmem>>, vector<16xf32>,
    %get3A_377 = vector.shape_cast %get3A_376 : vector<16xf32> to vector<16xf32>
    %get3A_378 = arith.constant 336 : index
    %get3A_379 = tpu.vector_load %arg12[%get3A_378] {strides = array<i32>} : memref<512xf32, #tpu.memory_space<vmem>>, vector<16xf32>,
    %get3A_380 = vector.shape_cast %get3A_379 : vector<16xf32> to vector<16xf32>
    %get3A_381 = arith.constant 336 : index
    %get3A_382 = tpu.vector_load %arg10[%get3A_381] {strides = array<i32>} : memref<512xf32, #tpu.memory_space<vmem>>, vector<16xf32>,
    %get3A_383 = vector.shape_cast %get3A_382 : vector<16xf32> to vector<16xf32>
    %add3A_384 = arith.addf %get3A_380, %get3A_383 : vector<16xf32>
    %mul3A_385 = arith.mulf %get3A_377, %add3A_384 : vector<16xf32>
    %add3A_386 = arith.addf %add3A_374, %mul3A_385 : vector<16xf32>
    %get3A_387 = arith.constant 352 : index
    %get3A_388 = tpu.vector_load %arg11[%get3A_387] {strides = array<i32>} : memref<512xf32, #tpu.memory_space<vmem>>, vector<16xf32>,
    %get3A_389 = vector.shape_cast %get3A_388 : vector<16xf32> to vector<16xf32>
    %get3A_390 = arith.constant 352 : index
    %get3A_391 = tpu.vector_load %arg12[%get3A_390] {strides = array<i32>} : memref<512xf32, #tpu.memory_space<vmem>>, vector<16xf32>,
    %get3A_392 = vector.shape_cast %get3A_391 : vector<16xf32> to vector<16xf32>
    %get3A_393 = arith.constant 352 : index
    %get3A_394 = tpu.vector_load %arg10[%get3A_393] {strides = array<i32>} : memref<512xf32, #tpu.memory_space<vmem>>, vector<16xf32>,
    %get3A_395 = vector.shape_cast %get3A_394 : vector<16xf32> to vector<16xf32>
    %add3A_396 = arith.addf %get3A_392, %get3A_395 : vector<16xf32>
    %mul3A_397 = arith.mulf %get3A_389, %add3A_396 : vector<16xf32>
    %add3A_398 = arith.addf %add3A_386, %mul3A_397 : vector<16xf32>
    %get3A_399 = arith.constant 368 : index
    %get3A_400 = tpu.vector_load %arg11[%get3A_399] {strides = array<i32>} : memref<512xf32, #tpu.memory_space<vmem>>, vector<16xf32>,
    %get3A_401 = vector.shape_cast %get3A_400 : vector<16xf32> to vector<16xf32>
    %get3A_402 = arith.constant 368 : index
    %get3A_403 = tpu.vector_load %arg12[%get3A_402] {strides = array<i32>} : memref<512xf32, #tpu.memory_space<vmem>>, vector<16xf32>,
    %get3A_404 = vector.shape_cast %get3A_403 : vector<16xf32> to vector<16xf32>
    %get3A_405 = arith.constant 368 : index
    %get3A_406 = tpu.vector_load %arg10[%get3A_405] {strides = array<i32>} : memref<512xf32, #tpu.memory_space<vmem>>, vector<16xf32>,
    %get3A_407 = vector.shape_cast %get3A_406 : vector<16xf32> to vector<16xf32>
    %add3A_408 = arith.addf %get3A_404, %get3A_407 : vector<16xf32>
    %mul3A_409 = arith.mulf %get3A_401, %add3A_408 : vector<16xf32>
    %add3A_410 = arith.addf %add3A_398, %mul3A_409 : vector<16xf32>
    %get3A_411 = arith.constant 384 : index
    %get3A_412 = tpu.vector_load %arg11[%get3A_411] {strides = array<i32>} : memref<512xf32, #tpu.memory_space<vmem>>, vector<16xf32>,
    %get3A_413 = vector.shape_cast %get3A_412 : vector<16xf32> to vector<16xf32>
    %get3A_414 = arith.constant 384 : index
    %get3A_415 = tpu.vector_load %arg12[%get3A_414] {strides = array<i32>} : memref<512xf32, #tpu.memory_space<vmem>>, vector<16xf32>,
    %get3A_416 = vector.shape_cast %get3A_415 : vector<16xf32> to vector<16xf32>
    %get3A_417 = arith.constant 384 : index
    %get3A_418 = tpu.vector_load %arg10[%get3A_417] {strides = array<i32>} : memref<512xf32, #tpu.memory_space<vmem>>, vector<16xf32>,
    %get3A_419 = vector.shape_cast %get3A_418 : vector<16xf32> to vector<16xf32>
    %add3A_420 = arith.addf %get3A_416, %get3A_419 : vector<16xf32>
    %mul3A_421 = arith.mulf %get3A_413, %add3A_420 : vector<16xf32>
    %add3A_422 = arith.addf %add3A_410, %mul3A_421 : vector<16xf32>
    %get3A_423 = arith.constant 400 : index
    %get3A_424 = tpu.vector_load %arg11[%get3A_423] {strides = array<i32>} : memref<512xf32, #tpu.memory_space<vmem>>, vector<16xf32>,
    %get3A_425 = vector.shape_cast %get3A_424 : vector<16xf32> to vector<16xf32>
    %get3A_426 = arith.constant 400 : index
    %get3A_427 = tpu.vector_load %arg12[%get3A_426] {strides = array<i32>} : memref<512xf32, #tpu.memory_space<vmem>>, vector<16xf32>,
    %get3A_428 = vector.shape_cast %get3A_427 : vector<16xf32> to vector<16xf32>
    %get3A_429 = arith.constant 400 : index
    %get3A_430 = tpu.vector_load %arg10[%get3A_429] {strides = array<i32>} : memref<512xf32, #tpu.memory_space<vmem>>, vector<16xf32>,
    %get3A_431 = vector.shape_cast %get3A_430 : vector<16xf32> to vector<16xf32>
    %add3A_432 = arith.addf %get3A_428, %get3A_431 : vector<16xf32>
    %mul3A_433 = arith.mulf %get3A_425, %add3A_432 : vector<16xf32>
    %add3A_434 = arith.addf %add3A_422, %mul3A_433 : vector<16xf32>
    %get3A_435 = arith.constant 416 : index
    %get3A_436 = tpu.vector_load %arg11[%get3A_435] {strides = array<i32>} : memref<512xf32, #tpu.memory_space<vmem>>, vector<16xf32>,
    %get3A_437 = vector.shape_cast %get3A_436 : vector<16xf32> to vector<16xf32>
    %get3A_438 = arith.constant 416 : index
    %get3A_439 = tpu.vector_load %arg12[%get3A_438] {strides = array<i32>} : memref<512xf32, #tpu.memory_space<vmem>>, vector<16xf32>,
    %get3A_440 = vector.shape_cast %get3A_439 : vector<16xf32> to vector<16xf32>
    %get3A_441 = arith.constant 416 : index
    %get3A_442 = tpu.vector_load %arg10[%get3A_441] {strides = array<i32>} : memref<512xf32, #tpu.memory_space<vmem>>, vector<16xf32>,
    %get3A_443 = vector.shape_cast %get3A_442 : vector<16xf32> to vector<16xf32>
    %add3A_444 = arith.addf %get3A_440, %get3A_443 : vector<16xf32>
    %mul3A_445 = arith.mulf %get3A_437, %add3A_444 : vector<16xf32>
    %add3A_446 = arith.addf %add3A_434, %mul3A_445 : vector<16xf32>
    %get3A_447 = arith.constant 432 : index
    %get3A_448 = tpu.vector_load %arg11[%get3A_447] {strides = array<i32>} : memref<512xf32, #tpu.memory_space<vmem>>, vector<16xf32>,
    %get3A_449 = vector.shape_cast %get3A_448 : vector<16xf32> to vector<16xf32>
    %get3A_450 = arith.constant 432 : index
    %get3A_451 = tpu.vector_load %arg12[%get3A_450] {strides = array<i32>} : memref<512xf32, #tpu.memory_space<vmem>>, vector<16xf32>,
    %get3A_452 = vector.shape_cast %get3A_451 : vector<16xf32> to vector<16xf32>
    %get3A_453 = arith.constant 432 : index
    %get3A_454 = tpu.vector_load %arg10[%get3A_453] {strides = array<i32>} : memref<512xf32, #tpu.memory_space<vmem>>, vector<16xf32>,
    %get3A_455 = vector.shape_cast %get3A_454 : vector<16xf32> to vector<16xf32>
    %add3A_456 = arith.addf %get3A_452, %get3A_455 : vector<16xf32>
    %mul3A_457 = arith.mulf %get3A_449, %add3A_456 : vector<16xf32>
    %add3A_458 = arith.addf %add3A_446, %mul3A_457 : vector<16xf32>
    %get3A_459 = arith.constant 448 : index
    %get3A_460 = tpu.vector_load %arg11[%get3A_459] {strides = array<i32>} : memref<512xf32, #tpu.memory_space<vmem>>, vector<16xf32>,
    %get3A_461 = vector.shape_cast %get3A_460 : vector<16xf32> to vector<16xf32>
    %get3A_462 = arith.constant 448 : index
    %get3A_463 = tpu.vector_load %arg12[%get3A_462] {strides = array<i32>} : memref<512xf32, #tpu.memory_space<vmem>>, vector<16xf32>,
    %get3A_464 = vector.shape_cast %get3A_463 : vector<16xf32> to vector<16xf32>
    %get3A_465 = arith.constant 448 : index
    %get3A_466 = tpu.vector_load %arg10[%get3A_465] {strides = array<i32>} : memref<512xf32, #tpu.memory_space<vmem>>, vector<16xf32>,
    %get3A_467 = vector.shape_cast %get3A_466 : vector<16xf32> to vector<16xf32>
    %add3A_468 = arith.addf %get3A_464, %get3A_467 : vector<16xf32>
    %mul3A_469 = arith.mulf %get3A_461, %add3A_468 : vector<16xf32>
    %add3A_470 = arith.addf %add3A_458, %mul3A_469 : vector<16xf32>
    %get3A_471 = arith.constant 464 : index
    %get3A_472 = tpu.vector_load %arg11[%get3A_471] {strides = array<i32>} : memref<512xf32, #tpu.memory_space<vmem>>, vector<16xf32>,
    %get3A_473 = vector.shape_cast %get3A_472 : vector<16xf32> to vector<16xf32>
    %get3A_474 = arith.constant 464 : index
    %get3A_475 = tpu.vector_load %arg12[%get3A_474] {strides = array<i32>} : memref<512xf32, #tpu.memory_space<vmem>>, vector<16xf32>,
    %get3A_476 = vector.shape_cast %get3A_475 : vector<16xf32> to vector<16xf32>
    %get3A_477 = arith.constant 464 : index
    %get3A_478 = tpu.vector_load %arg10[%get3A_477] {strides = array<i32>} : memref<512xf32, #tpu.memory_space<vmem>>, vector<16xf32>,
    %get3A_479 = vector.shape_cast %get3A_478 : vector<16xf32> to vector<16xf32>
    %add3A_480 = arith.addf %get3A_476, %get3A_479 : vector<16xf32>
    %mul3A_481 = arith.mulf %get3A_473, %add3A_480 : vector<16xf32>
    %add3A_482 = arith.addf %add3A_470, %mul3A_481 : vector<16xf32>
    %get3A_483 = arith.constant 480 : index
    %get3A_484 = tpu.vector_load %arg11[%get3A_483] {strides = array<i32>} : memref<512xf32, #tpu.memory_space<vmem>>, vector<16xf32>,
    %get3A_485 = vector.shape_cast %get3A_484 : vector<16xf32> to vector<16xf32>
    %get3A_486 = arith.constant 480 : index
    %get3A_487 = tpu.vector_load %arg12[%get3A_486] {strides = array<i32>} : memref<512xf32, #tpu.memory_space<vmem>>, vector<16xf32>,
    %get3A_488 = vector.shape_cast %get3A_487 : vector<16xf32> to vector<16xf32>
    %get3A_489 = arith.constant 480 : index
    %get3A_490 = tpu.vector_load %arg10[%get3A_489] {strides = array<i32>} : memref<512xf32, #tpu.memory_space<vmem>>, vector<16xf32>,
    %get3A_491 = vector.shape_cast %get3A_490 : vector<16xf32> to vector<16xf32>
    %add3A_492 = arith.addf %get3A_488, %get3A_491 : vector<16xf32>
    %mul3A_493 = arith.mulf %get3A_485, %add3A_492 : vector<16xf32>
    %add3A_494 = arith.addf %add3A_482, %mul3A_493 : vector<16xf32>
    %get3A_495 = arith.constant 496 : index
    %get3A_496 = tpu.vector_load %arg11[%get3A_495] {strides = array<i32>} : memref<512xf32, #tpu.memory_space<vmem>>, vector<16xf32>,
    %get3A_497 = vector.shape_cast %get3A_496 : vector<16xf32> to vector<16xf32>
    %get3A_498 = arith.constant 496 : index
    %get3A_499 = tpu.vector_load %arg12[%get3A_498] {strides = array<i32>} : memref<512xf32, #tpu.memory_space<vmem>>, vector<16xf32>,
    %get3A_500 = vector.shape_cast %get3A_499 : vector<16xf32> to vector<16xf32>
    %get3A_501 = arith.constant 496 : index
    %get3A_502 = tpu.vector_load %arg10[%get3A_501] {strides = array<i32>} : memref<512xf32, #tpu.memory_space<vmem>>, vector<16xf32>,
    %get3A_503 = vector.shape_cast %get3A_502 : vector<16xf32> to vector<16xf32>
    %add3A_504 = arith.addf %get3A_500, %get3A_503 : vector<16xf32>
    %mul3A_505 = arith.mulf %get3A_497, %add3A_504 : vector<16xf32>
    %add3A_506 = arith.addf %add3A_494, %mul3A_505 : vector<16xf32>
    %broadcast_in_dim3A_507 = arith.constant 0.000000e+00 : f32
    %broadcast_in_dim3A_508 = vector.broadcast %broadcast_in_dim3A_507 : f32 to vector<16xf32>
    %get3A_509 = arith.constant 0 : index
    %get3A_510 = tpu.vector_load %arg15[%get3A_509] {strides = array<i32>} : memref<512xf32, #tpu.memory_space<vmem>>, vector<16xf32>,
    %get3A_511 = vector.shape_cast %get3A_510 : vector<16xf32> to vector<16xf32>
    %get3A_512 = arith.constant 0 : index
    %get3A_513 = tpu.vector_load %arg16[%get3A_512] {strides = array<i32>} : memref<512xf32, #tpu.memory_space<vmem>>, vector<16xf32>,
    %get3A_514 = vector.shape_cast %get3A_513 : vector<16xf32> to vector<16xf32>
    %get3A_515 = arith.constant 0 : index
    %get3A_516 = tpu.vector_load %arg14[%get3A_515] {strides = array<i32>} : memref<512xf32, #tpu.memory_space<vmem>>, vector<16xf32>,
    %get3A_517 = vector.shape_cast %get3A_516 : vector<16xf32> to vector<16xf32>
    %add3A_518 = arith.addf %get3A_514, %get3A_517 : vector<16xf32>
    %mul3A_519 = arith.mulf %get3A_511, %add3A_518 : vector<16xf32>
    %add3A_520 = arith.addf %broadcast_in_dim3A_508, %mul3A_519 : vector<16xf32>
    %get3A_521 = arith.constant 16 : index
    %get3A_522 = tpu.vector_load %arg15[%get3A_521] {strides = array<i32>} : memref<512xf32, #tpu.memory_space<vmem>>, vector<16xf32>,
    %get3A_523 = vector.shape_cast %get3A_522 : vector<16xf32> to vector<16xf32>
    %get3A_524 = arith.constant 16 : index
    %get3A_525 = tpu.vector_load %arg16[%get3A_524] {strides = array<i32>} : memref<512xf32, #tpu.memory_space<vmem>>, vector<16xf32>,
    %get3A_526 = vector.shape_cast %get3A_525 : vector<16xf32> to vector<16xf32>
    %get3A_527 = arith.constant 16 : index
    %get3A_528 = tpu.vector_load %arg14[%get3A_527] {strides = array<i32>} : memref<512xf32, #tpu.memory_space<vmem>>, vector<16xf32>,
    %get3A_529 = vector.shape_cast %get3A_528 : vector<16xf32> to vector<16xf32>
    %add3A_530 = arith.addf %get3A_526, %get3A_529 : vector<16xf32>
    %mul3A_531 = arith.mulf %get3A_523, %add3A_530 : vector<16xf32>
    %add3A_532 = arith.addf %add3A_520, %mul3A_531 : vector<16xf32>
    %get3A_533 = arith.constant 32 : index
    %get3A_534 = tpu.vector_load %arg15[%get3A_533] {strides = array<i32>} : memref<512xf32, #tpu.memory_space<vmem>>, vector<16xf32>,
    %get3A_535 = vector.shape_cast %get3A_534 : vector<16xf32> to vector<16xf32>
    %get3A_536 = arith.constant 32 : index
    %get3A_537 = tpu.vector_load %arg16[%get3A_536] {strides = array<i32>} : memref<512xf32, #tpu.memory_space<vmem>>, vector<16xf32>,
    %get3A_538 = vector.shape_cast %get3A_537 : vector<16xf32> to vector<16xf32>
    %get3A_539 = arith.constant 32 : index
    %get3A_540 = tpu.vector_load %arg14[%get3A_539] {strides = array<i32>} : memref<512xf32, #tpu.memory_space<vmem>>, vector<16xf32>,
    %get3A_541 = vector.shape_cast %get3A_540 : vector<16xf32> to vector<16xf32>
    %add3A_542 = arith.addf %get3A_538, %get3A_541 : vector<16xf32>
    %mul3A_543 = arith.mulf %get3A_535, %add3A_542 : vector<16xf32>
    %add3A_544 = arith.addf %add3A_532, %mul3A_543 : vector<16xf32>
    %get3A_545 = arith.constant 48 : index
    %get3A_546 = tpu.vector_load %arg15[%get3A_545] {strides = array<i32>} : memref<512xf32, #tpu.memory_space<vmem>>, vector<16xf32>,
    %get3A_547 = vector.shape_cast %get3A_546 : vector<16xf32> to vector<16xf32>
    %get3A_548 = arith.constant 48 : index
    %get3A_549 = tpu.vector_load %arg16[%get3A_548] {strides = array<i32>} : memref<512xf32, #tpu.memory_space<vmem>>, vector<16xf32>,
    %get3A_550 = vector.shape_cast %get3A_549 : vector<16xf32> to vector<16xf32>
    %get3A_551 = arith.constant 48 : index
    %get3A_552 = tpu.vector_load %arg14[%get3A_551] {strides = array<i32>} : memref<512xf32, #tpu.memory_space<vmem>>, vector<16xf32>,
    %get3A_553 = vector.shape_cast %get3A_552 : vector<16xf32> to vector<16xf32>
    %add3A_554 = arith.addf %get3A_550, %get3A_553 : vector<16xf32>
    %mul3A_555 = arith.mulf %get3A_547, %add3A_554 : vector<16xf32>
    %add3A_556 = arith.addf %add3A_544, %mul3A_555 : vector<16xf32>
    %get3A_557 = arith.constant 64 : index
    %get3A_558 = tpu.vector_load %arg15[%get3A_557] {strides = array<i32>} : memref<512xf32, #tpu.memory_space<vmem>>, vector<16xf32>,
    %get3A_559 = vector.shape_cast %get3A_558 : vector<16xf32> to vector<16xf32>
    %get3A_560 = arith.constant 64 : index
    %get3A_561 = tpu.vector_load %arg16[%get3A_560] {strides = array<i32>} : memref<512xf32, #tpu.memory_space<vmem>>, vector<16xf32>,
    %get3A_562 = vector.shape_cast %get3A_561 : vector<16xf32> to vector<16xf32>
    %get3A_563 = arith.constant 64 : index
    %get3A_564 = tpu.vector_load %arg14[%get3A_563] {strides = array<i32>} : memref<512xf32, #tpu.memory_space<vmem>>, vector<16xf32>,
    %get3A_565 = vector.shape_cast %get3A_564 : vector<16xf32> to vector<16xf32>
    %add3A_566 = arith.addf %get3A_562, %get3A_565 : vector<16xf32>
    %mul3A_567 = arith.mulf %get3A_559, %add3A_566 : vector<16xf32>
    %add3A_568 = arith.addf %add3A_556, %mul3A_567 : vector<16xf32>
    %get3A_569 = arith.constant 80 : index
    %get3A_570 = tpu.vector_load %arg15[%get3A_569] {strides = array<i32>} : memref<512xf32, #tpu.memory_space<vmem>>, vector<16xf32>,
    %get3A_571 = vector.shape_cast %get3A_570 : vector<16xf32> to vector<16xf32>
    %get3A_572 = arith.constant 80 : index
    %get3A_573 = tpu.vector_load %arg16[%get3A_572] {strides = array<i32>} : memref<512xf32, #tpu.memory_space<vmem>>, vector<16xf32>,
    %get3A_574 = vector.shape_cast %get3A_573 : vector<16xf32> to vector<16xf32>
    %get3A_575 = arith.constant 80 : index
    %get3A_576 = tpu.vector_load %arg14[%get3A_575] {strides = array<i32>} : memref<512xf32, #tpu.memory_space<vmem>>, vector<16xf32>,
    %get3A_577 = vector.shape_cast %get3A_576 : vector<16xf32> to vector<16xf32>
    %add3A_578 = arith.addf %get3A_574, %get3A_577 : vector<16xf32>
    %mul3A_579 = arith.mulf %get3A_571, %add3A_578 : vector<16xf32>
    %add3A_580 = arith.addf %add3A_568, %mul3A_579 : vector<16xf32>
    %get3A_581 = arith.constant 96 : index
    %get3A_582 = tpu.vector_load %arg15[%get3A_581] {strides = array<i32>} : memref<512xf32, #tpu.memory_space<vmem>>, vector<16xf32>,
    %get3A_583 = vector.shape_cast %get3A_582 : vector<16xf32> to vector<16xf32>
    %get3A_584 = arith.constant 96 : index
    %get3A_585 = tpu.vector_load %arg16[%get3A_584] {strides = array<i32>} : memref<512xf32, #tpu.memory_space<vmem>>, vector<16xf32>,
    %get3A_586 = vector.shape_cast %get3A_585 : vector<16xf32> to vector<16xf32>
    %get3A_587 = arith.constant 96 : index
    %get3A_588 = tpu.vector_load %arg14[%get3A_587] {strides = array<i32>} : memref<512xf32, #tpu.memory_space<vmem>>, vector<16xf32>,
    %get3A_589 = vector.shape_cast %get3A_588 : vector<16xf32> to vector<16xf32>
    %add3A_590 = arith.addf %get3A_586, %get3A_589 : vector<16xf32>
    %mul3A_591 = arith.mulf %get3A_583, %add3A_590 : vector<16xf32>
    %add3A_592 = arith.addf %add3A_580, %mul3A_591 : vector<16xf32>
    %get3A_593 = arith.constant 112 : index
    %get3A_594 = tpu.vector_load %arg15[%get3A_593] {strides = array<i32>} : memref<512xf32, #tpu.memory_space<vmem>>, vector<16xf32>,
    %get3A_595 = vector.shape_cast %get3A_594 : vector<16xf32> to vector<16xf32>
    %get3A_596 = arith.constant 112 : index
    %get3A_597 = tpu.vector_load %arg16[%get3A_596] {strides = array<i32>} : memref<512xf32, #tpu.memory_space<vmem>>, vector<16xf32>,
    %get3A_598 = vector.shape_cast %get3A_597 : vector<16xf32> to vector<16xf32>
    %get3A_599 = arith.constant 112 : index
    %get3A_600 = tpu.vector_load %arg14[%get3A_599] {strides = array<i32>} : memref<512xf32, #tpu.memory_space<vmem>>, vector<16xf32>,
    %get3A_601 = vector.shape_cast %get3A_600 : vector<16xf32> to vector<16xf32>
    %add3A_602 = arith.addf %get3A_598, %get3A_601 : vector<16xf32>
    %mul3A_603 = arith.mulf %get3A_595, %add3A_602 : vector<16xf32>
    %add3A_604 = arith.addf %add3A_592, %mul3A_603 : vector<16xf32>
    %get3A_605 = arith.constant 128 : index
    %get3A_606 = tpu.vector_load %arg15[%get3A_605] {strides = array<i32>} : memref<512xf32, #tpu.memory_space<vmem>>, vector<16xf32>,
    %get3A_607 = vector.shape_cast %get3A_606 : vector<16xf32> to vector<16xf32>
    %get3A_608 = arith.constant 128 : index
    %get3A_609 = tpu.vector_load %arg16[%get3A_608] {strides = array<i32>} : memref<512xf32, #tpu.memory_space<vmem>>, vector<16xf32>,
    %get3A_610 = vector.shape_cast %get3A_609 : vector<16xf32> to vector<16xf32>
    %get3A_611 = arith.constant 128 : index
    %get3A_612 = tpu.vector_load %arg14[%get3A_611] {strides = array<i32>} : memref<512xf32, #tpu.memory_space<vmem>>, vector<16xf32>,
    %get3A_613 = vector.shape_cast %get3A_612 : vector<16xf32> to vector<16xf32>
    %add3A_614 = arith.addf %get3A_610, %get3A_613 : vector<16xf32>
    %mul3A_615 = arith.mulf %get3A_607, %add3A_614 : vector<16xf32>
    %add3A_616 = arith.addf %add3A_604, %mul3A_615 : vector<16xf32>
    %get3A_617 = arith.constant 144 : index
    %get3A_618 = tpu.vector_load %arg15[%get3A_617] {strides = array<i32>} : memref<512xf32, #tpu.memory_space<vmem>>, vector<16xf32>,
    %get3A_619 = vector.shape_cast %get3A_618 : vector<16xf32> to vector<16xf32>
    %get3A_620 = arith.constant 144 : index
    %get3A_621 = tpu.vector_load %arg16[%get3A_620] {strides = array<i32>} : memref<512xf32, #tpu.memory_space<vmem>>, vector<16xf32>,
    %get3A_622 = vector.shape_cast %get3A_621 : vector<16xf32> to vector<16xf32>
    %get3A_623 = arith.constant 144 : index
    %get3A_624 = tpu.vector_load %arg14[%get3A_623] {strides = array<i32>} : memref<512xf32, #tpu.memory_space<vmem>>, vector<16xf32>,
    %get3A_625 = vector.shape_cast %get3A_624 : vector<16xf32> to vector<16xf32>
    %add3A_626 = arith.addf %get3A_622, %get3A_625 : vector<16xf32>
    %mul3A_627 = arith.mulf %get3A_619, %add3A_626 : vector<16xf32>
    %add3A_628 = arith.addf %add3A_616, %mul3A_627 : vector<16xf32>
    %get3A_629 = arith.constant 160 : index
    %get3A_630 = tpu.vector_load %arg15[%get3A_629] {strides = array<i32>} : memref<512xf32, #tpu.memory_space<vmem>>, vector<16xf32>,
    %get3A_631 = vector.shape_cast %get3A_630 : vector<16xf32> to vector<16xf32>
    %get3A_632 = arith.constant 160 : index
    %get3A_633 = tpu.vector_load %arg16[%get3A_632] {strides = array<i32>} : memref<512xf32, #tpu.memory_space<vmem>>, vector<16xf32>,
    %get3A_634 = vector.shape_cast %get3A_633 : vector<16xf32> to vector<16xf32>
    %get3A_635 = arith.constant 160 : index
    %get3A_636 = tpu.vector_load %arg14[%get3A_635] {strides = array<i32>} : memref<512xf32, #tpu.memory_space<vmem>>, vector<16xf32>,
    %get3A_637 = vector.shape_cast %get3A_636 : vector<16xf32> to vector<16xf32>
    %add3A_638 = arith.addf %get3A_634, %get3A_637 : vector<16xf32>
    %mul3A_639 = arith.mulf %get3A_631, %add3A_638 : vector<16xf32>
    %add3A_640 = arith.addf %add3A_628, %mul3A_639 : vector<16xf32>
    %get3A_641 = arith.constant 176 : index
    %get3A_642 = tpu.vector_load %arg15[%get3A_641] {strides = array<i32>} : memref<512xf32, #tpu.memory_space<vmem>>, vector<16xf32>,
    %get3A_643 = vector.shape_cast %get3A_642 : vector<16xf32> to vector<16xf32>
    %get3A_644 = arith.constant 176 : index
    %get3A_645 = tpu.vector_load %arg16[%get3A_644] {strides = array<i32>} : memref<512xf32, #tpu.memory_space<vmem>>, vector<16xf32>,
    %get3A_646 = vector.shape_cast %get3A_645 : vector<16xf32> to vector<16xf32>
    %get3A_647 = arith.constant 176 : index
    %get3A_648 = tpu.vector_load %arg14[%get3A_647] {strides = array<i32>} : memref<512xf32, #tpu.memory_space<vmem>>, vector<16xf32>,
    %get3A_649 = vector.shape_cast %get3A_648 : vector<16xf32> to vector<16xf32>
    %add3A_650 = arith.addf %get3A_646, %get3A_649 : vector<16xf32>
    %mul3A_651 = arith.mulf %get3A_643, %add3A_650 : vector<16xf32>
    %add3A_652 = arith.addf %add3A_640, %mul3A_651 : vector<16xf32>
    %get3A_653 = arith.constant 192 : index
    %get3A_654 = tpu.vector_load %arg15[%get3A_653] {strides = array<i32>} : memref<512xf32, #tpu.memory_space<vmem>>, vector<16xf32>,
    %get3A_655 = vector.shape_cast %get3A_654 : vector<16xf32> to vector<16xf32>
    %get3A_656 = arith.constant 192 : index
    %get3A_657 = tpu.vector_load %arg16[%get3A_656] {strides = array<i32>} : memref<512xf32, #tpu.memory_space<vmem>>, vector<16xf32>,
    %get3A_658 = vector.shape_cast %get3A_657 : vector<16xf32> to vector<16xf32>
    %get3A_659 = arith.constant 192 : index
    %get3A_660 = tpu.vector_load %arg14[%get3A_659] {strides = array<i32>} : memref<512xf32, #tpu.memory_space<vmem>>, vector<16xf32>,
    %get3A_661 = vector.shape_cast %get3A_660 : vector<16xf32> to vector<16xf32>
    %add3A_662 = arith.addf %get3A_658, %get3A_661 : vector<16xf32>
    %mul3A_663 = arith.mulf %get3A_655, %add3A_662 : vector<16xf32>
    %add3A_664 = arith.addf %add3A_652, %mul3A_663 : vector<16xf32>
    %get3A_665 = arith.constant 208 : index
    %get3A_666 = tpu.vector_load %arg15[%get3A_665] {strides = array<i32>} : memref<512xf32, #tpu.memory_space<vmem>>, vector<16xf32>,
    %get3A_667 = vector.shape_cast %get3A_666 : vector<16xf32> to vector<16xf32>
    %get3A_668 = arith.constant 208 : index
    %get3A_669 = tpu.vector_load %arg16[%get3A_668] {strides = array<i32>} : memref<512xf32, #tpu.memory_space<vmem>>, vector<16xf32>,
    %get3A_670 = vector.shape_cast %get3A_669 : vector<16xf32> to vector<16xf32>
    %get3A_671 = arith.constant 208 : index
    %get3A_672 = tpu.vector_load %arg14[%get3A_671] {strides = array<i32>} : memref<512xf32, #tpu.memory_space<vmem>>, vector<16xf32>,
    %get3A_673 = vector.shape_cast %get3A_672 : vector<16xf32> to vector<16xf32>
    %add3A_674 = arith.addf %get3A_670, %get3A_673 : vector<16xf32>
    %mul3A_675 = arith.mulf %get3A_667, %add3A_674 : vector<16xf32>
    %add3A_676 = arith.addf %add3A_664, %mul3A_675 : vector<16xf32>
    %get3A_677 = arith.constant 224 : index
    %get3A_678 = tpu.vector_load %arg15[%get3A_677] {strides = array<i32>} : memref<512xf32, #tpu.memory_space<vmem>>, vector<16xf32>,
    %get3A_679 = vector.shape_cast %get3A_678 : vector<16xf32> to vector<16xf32>
    %get3A_680 = arith.constant 224 : index
    %get3A_681 = tpu.vector_load %arg16[%get3A_680] {strides = array<i32>} : memref<512xf32, #tpu.memory_space<vmem>>, vector<16xf32>,
    %get3A_682 = vector.shape_cast %get3A_681 : vector<16xf32> to vector<16xf32>
    %get3A_683 = arith.constant 224 : index
    %get3A_684 = tpu.vector_load %arg14[%get3A_683] {strides = array<i32>} : memref<512xf32, #tpu.memory_space<vmem>>, vector<16xf32>,
    %get3A_685 = vector.shape_cast %get3A_684 : vector<16xf32> to vector<16xf32>
    %add3A_686 = arith.addf %get3A_682, %get3A_685 : vector<16xf32>
    %mul3A_687 = arith.mulf %get3A_679, %add3A_686 : vector<16xf32>
    %add3A_688 = arith.addf %add3A_676, %mul3A_687 : vector<16xf32>
    %get3A_689 = arith.constant 240 : index
    %get3A_690 = tpu.vector_load %arg15[%get3A_689] {strides = array<i32>} : memref<512xf32, #tpu.memory_space<vmem>>, vector<16xf32>,
    %get3A_691 = vector.shape_cast %get3A_690 : vector<16xf32> to vector<16xf32>
    %get3A_692 = arith.constant 240 : index
    %get3A_693 = tpu.vector_load %arg16[%get3A_692] {strides = array<i32>} : memref<512xf32, #tpu.memory_space<vmem>>, vector<16xf32>,
    %get3A_694 = vector.shape_cast %get3A_693 : vector<16xf32> to vector<16xf32>
    %get3A_695 = arith.constant 240 : index
    %get3A_696 = tpu.vector_load %arg14[%get3A_695] {strides = array<i32>} : memref<512xf32, #tpu.memory_space<vmem>>, vector<16xf32>,
    %get3A_697 = vector.shape_cast %get3A_696 : vector<16xf32> to vector<16xf32>
    %add3A_698 = arith.addf %get3A_694, %get3A_697 : vector<16xf32>
    %mul3A_699 = arith.mulf %get3A_691, %add3A_698 : vector<16xf32>
    %add3A_700 = arith.addf %add3A_688, %mul3A_699 : vector<16xf32>
    %get3A_701 = arith.constant 256 : index
    %get3A_702 = tpu.vector_load %arg15[%get3A_701] {strides = array<i32>} : memref<512xf32, #tpu.memory_space<vmem>>, vector<16xf32>,
    %get3A_703 = vector.shape_cast %get3A_702 : vector<16xf32> to vector<16xf32>
    %get3A_704 = arith.constant 256 : index
    %get3A_705 = tpu.vector_load %arg16[%get3A_704] {strides = array<i32>} : memref<512xf32, #tpu.memory_space<vmem>>, vector<16xf32>,
    %get3A_706 = vector.shape_cast %get3A_705 : vector<16xf32> to vector<16xf32>
    %get3A_707 = arith.constant 256 : index
    %get3A_708 = tpu.vector_load %arg14[%get3A_707] {strides = array<i32>} : memref<512xf32, #tpu.memory_space<vmem>>, vector<16xf32>,
    %get3A_709 = vector.shape_cast %get3A_708 : vector<16xf32> to vector<16xf32>
    %add3A_710 = arith.addf %get3A_706, %get3A_709 : vector<16xf32>
    %mul3A_711 = arith.mulf %get3A_703, %add3A_710 : vector<16xf32>
    %add3A_712 = arith.addf %add3A_700, %mul3A_711 : vector<16xf32>
    %get3A_713 = arith.constant 272 : index
    %get3A_714 = tpu.vector_load %arg15[%get3A_713] {strides = array<i32>} : memref<512xf32, #tpu.memory_space<vmem>>, vector<16xf32>,
    %get3A_715 = vector.shape_cast %get3A_714 : vector<16xf32> to vector<16xf32>
    %get3A_716 = arith.constant 272 : index
    %get3A_717 = tpu.vector_load %arg16[%get3A_716] {strides = array<i32>} : memref<512xf32, #tpu.memory_space<vmem>>, vector<16xf32>,
    %get3A_718 = vector.shape_cast %get3A_717 : vector<16xf32> to vector<16xf32>
    %get3A_719 = arith.constant 272 : index
    %get3A_720 = tpu.vector_load %arg14[%get3A_719] {strides = array<i32>} : memref<512xf32, #tpu.memory_space<vmem>>, vector<16xf32>,
    %get3A_721 = vector.shape_cast %get3A_720 : vector<16xf32> to vector<16xf32>
    %add3A_722 = arith.addf %get3A_718, %get3A_721 : vector<16xf32>
    %mul3A_723 = arith.mulf %get3A_715, %add3A_722 : vector<16xf32>
    %add3A_724 = arith.addf %add3A_712, %mul3A_723 : vector<16xf32>
    %get3A_725 = arith.constant 288 : index
    %get3A_726 = tpu.vector_load %arg15[%get3A_725] {strides = array<i32>} : memref<512xf32, #tpu.memory_space<vmem>>, vector<16xf32>,
    %get3A_727 = vector.shape_cast %get3A_726 : vector<16xf32> to vector<16xf32>
    %get3A_728 = arith.constant 288 : index
    %get3A_729 = tpu.vector_load %arg16[%get3A_728] {strides = array<i32>} : memref<512xf32, #tpu.memory_space<vmem>>, vector<16xf32>,
    %get3A_730 = vector.shape_cast %get3A_729 : vector<16xf32> to vector<16xf32>
    %get3A_731 = arith.constant 288 : index
    %get3A_732 = tpu.vector_load %arg14[%get3A_731] {strides = array<i32>} : memref<512xf32, #tpu.memory_space<vmem>>, vector<16xf32>,
    %get3A_733 = vector.shape_cast %get3A_732 : vector<16xf32> to vector<16xf32>
    %add3A_734 = arith.addf %get3A_730, %get3A_733 : vector<16xf32>
    %mul3A_735 = arith.mulf %get3A_727, %add3A_734 : vector<16xf32>
    %add3A_736 = arith.addf %add3A_724, %mul3A_735 : vector<16xf32>
    %get3A_737 = arith.constant 304 : index
    %get3A_738 = tpu.vector_load %arg15[%get3A_737] {strides = array<i32>} : memref<512xf32, #tpu.memory_space<vmem>>, vector<16xf32>,
    %get3A_739 = vector.shape_cast %get3A_738 : vector<16xf32> to vector<16xf32>
    %get3A_740 = arith.constant 304 : index
    %get3A_741 = tpu.vector_load %arg16[%get3A_740] {strides = array<i32>} : memref<512xf32, #tpu.memory_space<vmem>>, vector<16xf32>,
    %get3A_742 = vector.shape_cast %get3A_741 : vector<16xf32> to vector<16xf32>
    %get3A_743 = arith.constant 304 : index
    %get3A_744 = tpu.vector_load %arg14[%get3A_743] {strides = array<i32>} : memref<512xf32, #tpu.memory_space<vmem>>, vector<16xf32>,
    %get3A_745 = vector.shape_cast %get3A_744 : vector<16xf32> to vector<16xf32>
    %add3A_746 = arith.addf %get3A_742, %get3A_745 : vector<16xf32>
    %mul3A_747 = arith.mulf %get3A_739, %add3A_746 : vector<16xf32>
    %add3A_748 = arith.addf %add3A_736, %mul3A_747 : vector<16xf32>
    %get3A_749 = arith.constant 320 : index
    %get3A_750 = tpu.vector_load %arg15[%get3A_749] {strides = array<i32>} : memref<512xf32, #tpu.memory_space<vmem>>, vector<16xf32>,
    %get3A_751 = vector.shape_cast %get3A_750 : vector<16xf32> to vector<16xf32>
    %get3A_752 = arith.constant 320 : index
    %get3A_753 = tpu.vector_load %arg16[%get3A_752] {strides = array<i32>} : memref<512xf32, #tpu.memory_space<vmem>>, vector<16xf32>,
    %get3A_754 = vector.shape_cast %get3A_753 : vector<16xf32> to vector<16xf32>
    %get3A_755 = arith.constant 320 : index
    %get3A_756 = tpu.vector_load %arg14[%get3A_755] {strides = array<i32>} : memref<512xf32, #tpu.memory_space<vmem>>, vector<16xf32>,
    %get3A_757 = vector.shape_cast %get3A_756 : vector<16xf32> to vector<16xf32>
    %add3A_758 = arith.addf %get3A_754, %get3A_757 : vector<16xf32>
    %mul3A_759 = arith.mulf %get3A_751, %add3A_758 : vector<16xf32>
    %add3A_760 = arith.addf %add3A_748, %mul3A_759 : vector<16xf32>
    %get3A_761 = arith.constant 336 : index
    %get3A_762 = tpu.vector_load %arg15[%get3A_761] {strides = array<i32>} : memref<512xf32, #tpu.memory_space<vmem>>, vector<16xf32>,
    %get3A_763 = vector.shape_cast %get3A_762 : vector<16xf32> to vector<16xf32>
    %get3A_764 = arith.constant 336 : index
    %get3A_765 = tpu.vector_load %arg16[%get3A_764] {strides = array<i32>} : memref<512xf32, #tpu.memory_space<vmem>>, vector<16xf32>,
    %get3A_766 = vector.shape_cast %get3A_765 : vector<16xf32> to vector<16xf32>
    %get3A_767 = arith.constant 336 : index
    %get3A_768 = tpu.vector_load %arg14[%get3A_767] {strides = array<i32>} : memref<512xf32, #tpu.memory_space<vmem>>, vector<16xf32>,
    %get3A_769 = vector.shape_cast %get3A_768 : vector<16xf32> to vector<16xf32>
    %add3A_770 = arith.addf %get3A_766, %get3A_769 : vector<16xf32>
    %mul3A_771 = arith.mulf %get3A_763, %add3A_770 : vector<16xf32>
    %add3A_772 = arith.addf %add3A_760, %mul3A_771 : vector<16xf32>
    %get3A_773 = arith.constant 352 : index
    %get3A_774 = tpu.vector_load %arg15[%get3A_773] {strides = array<i32>} : memref<512xf32, #tpu.memory_space<vmem>>, vector<16xf32>,
    %get3A_775 = vector.shape_cast %get3A_774 : vector<16xf32> to vector<16xf32>
    %get3A_776 = arith.constant 352 : index
    %get3A_777 = tpu.vector_load %arg16[%get3A_776] {strides = array<i32>} : memref<512xf32, #tpu.memory_space<vmem>>, vector<16xf32>,
    %get3A_778 = vector.shape_cast %get3A_777 : vector<16xf32> to vector<16xf32>
    %get3A_779 = arith.constant 352 : index
    %get3A_780 = tpu.vector_load %arg14[%get3A_779] {strides = array<i32>} : memref<512xf32, #tpu.memory_space<vmem>>, vector<16xf32>,
    %get3A_781 = vector.shape_cast %get3A_780 : vector<16xf32> to vector<16xf32>
    %add3A_782 = arith.addf %get3A_778, %get3A_781 : vector<16xf32>
    %mul3A_783 = arith.mulf %get3A_775, %add3A_782 : vector<16xf32>
    %add3A_784 = arith.addf %add3A_772, %mul3A_783 : vector<16xf32>
    %get3A_785 = arith.constant 368 : index
    %get3A_786 = tpu.vector_load %arg15[%get3A_785] {strides = array<i32>} : memref<512xf32, #tpu.memory_space<vmem>>, vector<16xf32>,
    %get3A_787 = vector.shape_cast %get3A_786 : vector<16xf32> to vector<16xf32>
    %get3A_788 = arith.constant 368 : index
    %get3A_789 = tpu.vector_load %arg16[%get3A_788] {strides = array<i32>} : memref<512xf32, #tpu.memory_space<vmem>>, vector<16xf32>,
    %get3A_790 = vector.shape_cast %get3A_789 : vector<16xf32> to vector<16xf32>
    %get3A_791 = arith.constant 368 : index
    %get3A_792 = tpu.vector_load %arg14[%get3A_791] {strides = array<i32>} : memref<512xf32, #tpu.memory_space<vmem>>, vector<16xf32>,
    %get3A_793 = vector.shape_cast %get3A_792 : vector<16xf32> to vector<16xf32>
    %add3A_794 = arith.addf %get3A_790, %get3A_793 : vector<16xf32>
    %mul3A_795 = arith.mulf %get3A_787, %add3A_794 : vector<16xf32>
    %add3A_796 = arith.addf %add3A_784, %mul3A_795 : vector<16xf32>
    %get3A_797 = arith.constant 384 : index
    %get3A_798 = tpu.vector_load %arg15[%get3A_797] {strides = array<i32>} : memref<512xf32, #tpu.memory_space<vmem>>, vector<16xf32>,
    %get3A_799 = vector.shape_cast %get3A_798 : vector<16xf32> to vector<16xf32>
    %get3A_800 = arith.constant 384 : index
    %get3A_801 = tpu.vector_load %arg16[%get3A_800] {strides = array<i32>} : memref<512xf32, #tpu.memory_space<vmem>>, vector<16xf32>,
    %get3A_802 = vector.shape_cast %get3A_801 : vector<16xf32> to vector<16xf32>
    %get3A_803 = arith.constant 384 : index
    %get3A_804 = tpu.vector_load %arg14[%get3A_803] {strides = array<i32>} : memref<512xf32, #tpu.memory_space<vmem>>, vector<16xf32>,
    %get3A_805 = vector.shape_cast %get3A_804 : vector<16xf32> to vector<16xf32>
    %add3A_806 = arith.addf %get3A_802, %get3A_805 : vector<16xf32>
    %mul3A_807 = arith.mulf %get3A_799, %add3A_806 : vector<16xf32>
    %add3A_808 = arith.addf %add3A_796, %mul3A_807 : vector<16xf32>
    %get3A_809 = arith.constant 400 : index
    %get3A_810 = tpu.vector_load %arg15[%get3A_809] {strides = array<i32>} : memref<512xf32, #tpu.memory_space<vmem>>, vector<16xf32>,
    %get3A_811 = vector.shape_cast %get3A_810 : vector<16xf32> to vector<16xf32>
    %get3A_812 = arith.constant 400 : index
    %get3A_813 = tpu.vector_load %arg16[%get3A_812] {strides = array<i32>} : memref<512xf32, #tpu.memory_space<vmem>>, vector<16xf32>,
    %get3A_814 = vector.shape_cast %get3A_813 : vector<16xf32> to vector<16xf32>
    %get3A_815 = arith.constant 400 : index
    %get3A_816 = tpu.vector_load %arg14[%get3A_815] {strides = array<i32>} : memref<512xf32, #tpu.memory_space<vmem>>, vector<16xf32>,
    %get3A_817 = vector.shape_cast %get3A_816 : vector<16xf32> to vector<16xf32>
    %add3A_818 = arith.addf %get3A_814, %get3A_817 : vector<16xf32>
    %mul3A_819 = arith.mulf %get3A_811, %add3A_818 : vector<16xf32>
    %add3A_820 = arith.addf %add3A_808, %mul3A_819 : vector<16xf32>
    %get3A_821 = arith.constant 416 : index
    %get3A_822 = tpu.vector_load %arg15[%get3A_821] {strides = array<i32>} : memref<512xf32, #tpu.memory_space<vmem>>, vector<16xf32>,
    %get3A_823 = vector.shape_cast %get3A_822 : vector<16xf32> to vector<16xf32>
    %get3A_824 = arith.constant 416 : index
    %get3A_825 = tpu.vector_load %arg16[%get3A_824] {strides = array<i32>} : memref<512xf32, #tpu.memory_space<vmem>>, vector<16xf32>,
    %get3A_826 = vector.shape_cast %get3A_825 : vector<16xf32> to vector<16xf32>
    %get3A_827 = arith.constant 416 : index
    %get3A_828 = tpu.vector_load %arg14[%get3A_827] {strides = array<i32>} : memref<512xf32, #tpu.memory_space<vmem>>, vector<16xf32>,
    %get3A_829 = vector.shape_cast %get3A_828 : vector<16xf32> to vector<16xf32>
    %add3A_830 = arith.addf %get3A_826, %get3A_829 : vector<16xf32>
    %mul3A_831 = arith.mulf %get3A_823, %add3A_830 : vector<16xf32>
    %add3A_832 = arith.addf %add3A_820, %mul3A_831 : vector<16xf32>
    %get3A_833 = arith.constant 432 : index
    %get3A_834 = tpu.vector_load %arg15[%get3A_833] {strides = array<i32>} : memref<512xf32, #tpu.memory_space<vmem>>, vector<16xf32>,
    %get3A_835 = vector.shape_cast %get3A_834 : vector<16xf32> to vector<16xf32>
    %get3A_836 = arith.constant 432 : index
    %get3A_837 = tpu.vector_load %arg16[%get3A_836] {strides = array<i32>} : memref<512xf32, #tpu.memory_space<vmem>>, vector<16xf32>,
    %get3A_838 = vector.shape_cast %get3A_837 : vector<16xf32> to vector<16xf32>
    %get3A_839 = arith.constant 432 : index
    %get3A_840 = tpu.vector_load %arg14[%get3A_839] {strides = array<i32>} : memref<512xf32, #tpu.memory_space<vmem>>, vector<16xf32>,
    %get3A_841 = vector.shape_cast %get3A_840 : vector<16xf32> to vector<16xf32>
    %add3A_842 = arith.addf %get3A_838, %get3A_841 : vector<16xf32>
    %mul3A_843 = arith.mulf %get3A_835, %add3A_842 : vector<16xf32>
    %add3A_844 = arith.addf %add3A_832, %mul3A_843 : vector<16xf32>
    %get3A_845 = arith.constant 448 : index
    %get3A_846 = tpu.vector_load %arg15[%get3A_845] {strides = array<i32>} : memref<512xf32, #tpu.memory_space<vmem>>, vector<16xf32>,
    %get3A_847 = vector.shape_cast %get3A_846 : vector<16xf32> to vector<16xf32>
    %get3A_848 = arith.constant 448 : index
    %get3A_849 = tpu.vector_load %arg16[%get3A_848] {strides = array<i32>} : memref<512xf32, #tpu.memory_space<vmem>>, vector<16xf32>,
    %get3A_850 = vector.shape_cast %get3A_849 : vector<16xf32> to vector<16xf32>
    %get3A_851 = arith.constant 448 : index
    %get3A_852 = tpu.vector_load %arg14[%get3A_851] {strides = array<i32>} : memref<512xf32, #tpu.memory_space<vmem>>, vector<16xf32>,
    %get3A_853 = vector.shape_cast %get3A_852 : vector<16xf32> to vector<16xf32>
    %add3A_854 = arith.addf %get3A_850, %get3A_853 : vector<16xf32>
    %mul3A_855 = arith.mulf %get3A_847, %add3A_854 : vector<16xf32>
    %add3A_856 = arith.addf %add3A_844, %mul3A_855 : vector<16xf32>
    %get3A_857 = arith.constant 464 : index
    %get3A_858 = tpu.vector_load %arg15[%get3A_857] {strides = array<i32>} : memref<512xf32, #tpu.memory_space<vmem>>, vector<16xf32>,
    %get3A_859 = vector.shape_cast %get3A_858 : vector<16xf32> to vector<16xf32>
    %get3A_860 = arith.constant 464 : index
    %get3A_861 = tpu.vector_load %arg16[%get3A_860] {strides = array<i32>} : memref<512xf32, #tpu.memory_space<vmem>>, vector<16xf32>,
    %get3A_862 = vector.shape_cast %get3A_861 : vector<16xf32> to vector<16xf32>
    %get3A_863 = arith.constant 464 : index
    %get3A_864 = tpu.vector_load %arg14[%get3A_863] {strides = array<i32>} : memref<512xf32, #tpu.memory_space<vmem>>, vector<16xf32>,
    %get3A_865 = vector.shape_cast %get3A_864 : vector<16xf32> to vector<16xf32>
    %add3A_866 = arith.addf %get3A_862, %get3A_865 : vector<16xf32>
    %mul3A_867 = arith.mulf %get3A_859, %add3A_866 : vector<16xf32>
    %add3A_868 = arith.addf %add3A_856, %mul3A_867 : vector<16xf32>
    %get3A_869 = arith.constant 480 : index
    %get3A_870 = tpu.vector_load %arg15[%get3A_869] {strides = array<i32>} : memref<512xf32, #tpu.memory_space<vmem>>, vector<16xf32>,
    %get3A_871 = vector.shape_cast %get3A_870 : vector<16xf32> to vector<16xf32>
    %get3A_872 = arith.constant 480 : index
    %get3A_873 = tpu.vector_load %arg16[%get3A_872] {strides = array<i32>} : memref<512xf32, #tpu.memory_space<vmem>>, vector<16xf32>,
    %get3A_874 = vector.shape_cast %get3A_873 : vector<16xf32> to vector<16xf32>
    %get3A_875 = arith.constant 480 : index
    %get3A_876 = tpu.vector_load %arg14[%get3A_875] {strides = array<i32>} : memref<512xf32, #tpu.memory_space<vmem>>, vector<16xf32>,
    %get3A_877 = vector.shape_cast %get3A_876 : vector<16xf32> to vector<16xf32>
    %add3A_878 = arith.addf %get3A_874, %get3A_877 : vector<16xf32>
    %mul3A_879 = arith.mulf %get3A_871, %add3A_878 : vector<16xf32>
    %add3A_880 = arith.addf %add3A_868, %mul3A_879 : vector<16xf32>
    %get3A_881 = arith.constant 496 : index
    %get3A_882 = tpu.vector_load %arg15[%get3A_881] {strides = array<i32>} : memref<512xf32, #tpu.memory_space<vmem>>, vector<16xf32>,
    %get3A_883 = vector.shape_cast %get3A_882 : vector<16xf32> to vector<16xf32>
    %get3A_884 = arith.constant 496 : index
    %get3A_885 = tpu.vector_load %arg16[%get3A_884] {strides = array<i32>} : memref<512xf32, #tpu.memory_space<vmem>>, vector<16xf32>,
    %get3A_886 = vector.shape_cast %get3A_885 : vector<16xf32> to vector<16xf32>
    %get3A_887 = arith.constant 496 : index
    %get3A_888 = tpu.vector_load %arg14[%get3A_887] {strides = array<i32>} : memref<512xf32, #tpu.memory_space<vmem>>, vector<16xf32>,
    %get3A_889 = vector.shape_cast %get3A_888 : vector<16xf32> to vector<16xf32>
    %add3A_890 = arith.addf %get3A_886, %get3A_889 : vector<16xf32>
    %mul3A_891 = arith.mulf %get3A_883, %add3A_890 : vector<16xf32>
    %add3A_892 = arith.addf %add3A_880, %mul3A_891 : vector<16xf32>
    %mul3A_893 = arith.constant 3.05175781E-5 : f32
    %mul3A_894 = vector.broadcast %mul3A_893 : f32 to vector<16xf32>
    %mul3A_895 = arith.mulf %add3A_506, %mul3A_894 : vector<16xf32>
    %mul3A_896 = arith.constant 3.05175781E-5 : f32
    %mul3A_897 = vector.broadcast %mul3A_896 : f32 to vector<16xf32>
    %mul3A_898 = arith.mulf %add3A_892, %mul3A_897 : vector<16xf32>
    %add3A_899 = arith.addf %mul3A_895, %mul3A_898 : vector<16xf32>
    %swap3A = arith.constant 0 : index
    %swap3A_900 = tpu.vector_load %arg17[%swap3A] {strides = array<i32>} : memref<16xf32, #tpu.memory_space<vmem>>, vector<16xf32>,
    %swap3A_901 = vector.shape_cast %swap3A_900 : vector<16xf32> to vector<16xf32>
    %swap3A_902 = vector.shape_cast %add3A_899 : vector<16xf32> to vector<16xf32>
    tpu.vector_store %arg17[%swap3A], %swap3A_902 {strides = array<i32>} : memref<16xf32, #tpu.memory_space<vmem>>, vector<16xf32>,
    "tpu.region"() ({
      %run_scoped3A = tpu.sem_alloc : memref<!tpu.dma_semaphore, #tpu.memory_space<semaphore_mem>>
      %dma_start3A_903 = arith.constant 0 : i32
      %dma_start3A_904 = tpu.memref_slice %arg8[%add3A, %dma_start3A_903] : memref<32x16xf32, #tpu.memory_space<hbm>> -> memref<1x16xf32, #tpu.memory_space<hbm>>
      %dma_start3A_905 = tpu.memref_squeeze %dma_start3A_904 : memref<1x16xf32, #tpu.memory_space<hbm>> -> memref<16xf32, #tpu.memory_space<hbm>>
      %dma_start3A_906 = arith.constant 0 : i32
      %dma_start3A_907 = tpu.memref_slice %arg8[%add3A, %dma_start3A_906] : memref<32x16xf32, #tpu.memory_space<hbm>> -> memref<1x16xf32, #tpu.memory_space<hbm>>
      %dma_start3A_908 = tpu.memref_squeeze %dma_start3A_907 : memref<1x16xf32, #tpu.memory_space<hbm>> -> memref<16xf32, #tpu.memory_space<hbm>>
      tpu.enqueue_dma source(%arg17 : memref<16xf32, #tpu.memory_space<vmem>>) target(%dma_start3A_908 : memref<16xf32, #tpu.memory_space<hbm>>) target_semaphore(%run_scoped3A : memref<!tpu.dma_semaphore, #tpu.memory_space<semaphore_mem>>)
      %dma_wait3A_909 = arith.constant 0 : i32
      %dma_wait3A_910 = tpu.memref_slice %arg8[%add3A, %dma_wait3A_909] : memref<32x16xf32, #tpu.memory_space<hbm>> -> memref<1x16xf32, #tpu.memory_space<hbm>>
      %dma_wait3A_911 = tpu.memref_squeeze %dma_wait3A_910 : memref<1x16xf32, #tpu.memory_space<hbm>> -> memref<16xf32, #tpu.memory_space<hbm>>
      %dma_wait3A_912 = arith.constant 0 : i32
      %dma_wait3A_913 = tpu.memref_slice %arg8[%add3A, %dma_wait3A_912] : memref<32x16xf32, #tpu.memory_space<hbm>> -> memref<1x16xf32, #tpu.memory_space<hbm>>
      %dma_wait3A_914 = tpu.memref_squeeze %dma_wait3A_913 : memref<1x16xf32, #tpu.memory_space<hbm>> -> memref<16xf32, #tpu.memory_space<hbm>>
      tpu.wait_dma2 semaphore(%run_scoped3A : memref<!tpu.dma_semaphore, #tpu.memory_space<semaphore_mem>>) src(%arg17 : memref<16xf32, #tpu.memory_space<vmem>>) dst(%dma_wait3A_914 : memref<16xf32, #tpu.memory_space<hbm>>)
      tpu.yield
    }) : () -> ()
    return
  }
}

module attributes {stable_mosaic.version = 14 : i64} {
  func.func @_cdist_body(%arg0: memref<8x3x2048xf32, #tpu.memory_space<vmem>>, %arg1: memref<8x3x2048xf32, #tpu.memory_space<vmem>>, %arg2: memref<8x2048xf32, #tpu.memory_space<vmem>>, %arg3: memref<8x2048xi32, #tpu.memory_space<vmem>>, %arg4: memref<8x2048xf32, #tpu.memory_space<vmem>>, %arg5: memref<8x2048xi32, #tpu.memory_space<vmem>>) attributes {dimension_semantics = [], scalar_prefetch = 0 : i64, scratch_operands = 0 : i64, tpu.core_type = #tpu.core_type<tc>} {
    %scan3A = arith.constant 0 : i32
    %scan3A_0 = arith.constant 8 : i32
    %scan3A_1 = arith.addi %scan3A, %scan3A_0 : i32
    %scan3A_2 = arith.constant 1 : i32
    scf.for %scan3A_4 = %scan3A to %scan3A_1 step %scan3A_2  : i32 {
      %get3A = arith.index_cast %scan3A_4 : i32 to index
      %get3A_5 = arith.constant 0 : index
      %get3A_6 = arith.constant 0 : index
      %get3A_7 = vector.load %arg0[%get3A, %get3A_5, %get3A_6] : memref<8x3x2048xf32, #tpu.memory_space<vmem>>, vector<1x3x2048xf32>
      %squeeze3A = vector.shape_cast %get3A_7 : vector<1x3x2048xf32> to vector<3x2048xf32>
      %get3A_8 = arith.index_cast %scan3A_4 : i32 to index
      %get3A_9 = arith.constant 0 : index
      %get3A_10 = arith.constant 0 : index
      %get3A_11 = vector.load %arg1[%get3A_8, %get3A_9, %get3A_10] : memref<8x3x2048xf32, #tpu.memory_space<vmem>>, vector<1x3x2048xf32>
      %squeeze3A_12 = vector.shape_cast %get3A_11 : vector<1x3x2048xf32> to vector<3x2048xf32>
      %slice3A = vector.extract_strided_slice %squeeze3A {offsets = [0, 0], sizes = [1, 2048], strides = [1, 1]} : vector<3x2048xf32> to vector<1x2048xf32>
      %reshape3A = vector.shape_cast %slice3A : vector<1x2048xf32> to vector<2048x1xf32>
      %slice3A_13 = vector.extract_strided_slice %squeeze3A {offsets = [1, 0], sizes = [1, 2048], strides = [1, 1]} : vector<3x2048xf32> to vector<1x2048xf32>
      %reshape3A_14 = vector.shape_cast %slice3A_13 : vector<1x2048xf32> to vector<2048x1xf32>
      %slice3A_15 = vector.extract_strided_slice %squeeze3A {offsets = [2, 0], sizes = [1, 2048], strides = [1, 1]} : vector<3x2048xf32> to vector<1x2048xf32>
      %reshape3A_16 = vector.shape_cast %slice3A_15 : vector<1x2048xf32> to vector<2048x1xf32>
      %slice3A_17 = vector.extract_strided_slice %squeeze3A_12 {offsets = [0, 0], sizes = [1, 2048], strides = [1, 1]} : vector<3x2048xf32> to vector<1x2048xf32>
      %sub3A = vector.broadcast %reshape3A : vector<2048x1xf32> to vector<2048x2048xf32>
      %sub3A_18 = vector.broadcast %slice3A_17 : vector<1x2048xf32> to vector<2048x2048xf32>
      %sub3A_19 = arith.subf %sub3A, %sub3A_18 : vector<2048x2048xf32>
      %slice3A_20 = vector.extract_strided_slice %squeeze3A_12 {offsets = [1, 0], sizes = [1, 2048], strides = [1, 1]} : vector<3x2048xf32> to vector<1x2048xf32>
      %sub3A_21 = vector.broadcast %reshape3A_14 : vector<2048x1xf32> to vector<2048x2048xf32>
      %sub3A_22 = vector.broadcast %slice3A_20 : vector<1x2048xf32> to vector<2048x2048xf32>
      %sub3A_23 = arith.subf %sub3A_21, %sub3A_22 : vector<2048x2048xf32>
      %slice3A_24 = vector.extract_strided_slice %squeeze3A_12 {offsets = [2, 0], sizes = [1, 2048], strides = [1, 1]} : vector<3x2048xf32> to vector<1x2048xf32>
      %sub3A_25 = vector.broadcast %reshape3A_16 : vector<2048x1xf32> to vector<2048x2048xf32>
      %sub3A_26 = vector.broadcast %slice3A_24 : vector<1x2048xf32> to vector<2048x2048xf32>
      %sub3A_27 = arith.subf %sub3A_25, %sub3A_26 : vector<2048x2048xf32>
      %mul3A = arith.mulf %sub3A_19, %sub3A_19 : vector<2048x2048xf32>
      %mul3A_28 = arith.mulf %sub3A_23, %sub3A_23 : vector<2048x2048xf32>
      %add3A = arith.addf %mul3A, %mul3A_28 : vector<2048x2048xf32>
      %mul3A_29 = arith.mulf %sub3A_27, %sub3A_27 : vector<2048x2048xf32>
      %add3A_30 = arith.addf %add3A, %mul3A_29 : vector<2048x2048xf32>
      %bitcast_convert_type3A = tpu.bitcast %add3A_30 : vector<2048x2048xf32> -> vector<2048x2048xi32>
      %and3A = arith.constant -2048 : i32
      %and3A_31 = vector.broadcast %and3A : i32 to vector<2048x2048xi32>
      %and3A_32 = arith.andi %bitcast_convert_type3A, %and3A_31 : vector<2048x2048xi32>
      %iota3A = tpu.iota {dimensions = array<i32: 1>} : vector<2048x2048xi32>
      %or3A = arith.ori %and3A_32, %iota3A : vector<2048x2048xi32>
      %bitcast_convert_type3A_33 = tpu.bitcast %or3A : vector<2048x2048xi32> -> vector<2048x2048xf32>
      %reduce_min3A = arith.constant dense<0x7F800000> : vector<2048xf32>
      %reduce_min3A_34 = vector.multi_reduction <minimumf>, %bitcast_convert_type3A_33, %reduce_min3A [1] : vector<2048x2048xf32> to vector<2048xf32>
      %broadcast_in_dim3A = vector.shape_cast %reduce_min3A_34 : vector<2048xf32> to vector<2048x1xf32>
      %bitcast_convert_type3A_35 = tpu.bitcast %broadcast_in_dim3A : vector<2048x1xf32> -> vector<2048x1xi32>
      %and3A_36 = arith.constant -2048 : i32
      %and3A_37 = vector.broadcast %and3A_36 : i32 to vector<2048x1xi32>
      %and3A_38 = arith.andi %bitcast_convert_type3A_35, %and3A_37 : vector<2048x1xi32>
      %bitcast_convert_type3A_39 = tpu.bitcast %and3A_38 : vector<2048x1xi32> -> vector<2048x1xf32>
      %max3A = arith.constant 0.000000e+00 : f32
      %max3A_40 = vector.broadcast %max3A : f32 to vector<2048x1xf32>
      %max3A_41 = arith.maximumf %bitcast_convert_type3A_39, %max3A_40 : vector<2048x1xf32>
      %sqrt3A = math.sqrt %max3A_41 : vector<2048x1xf32>
      %reshape3A_42 = vector.shape_cast %sqrt3A : vector<2048x1xf32> to vector<1x2048xf32>
      %swap3A = arith.index_cast %scan3A_4 : i32 to index
      %swap3A_43 = arith.constant 0 : index
      %swap3A_44 = vector.load %arg2[%swap3A, %swap3A_43] : memref<8x2048xf32, #tpu.memory_space<vmem>>, vector<1x2048xf32>
      tpu.vector_store %arg2[%swap3A, %swap3A_43], %reshape3A_42 {strides = array<i32>} : memref<8x2048xf32, #tpu.memory_space<vmem>>, vector<1x2048xf32>,
      %and3A_45 = arith.constant 2047 : i32
      %and3A_46 = vector.broadcast %and3A_45 : i32 to vector<2048x1xi32>
      %and3A_47 = arith.andi %bitcast_convert_type3A_35, %and3A_46 : vector<2048x1xi32>
      %mul3A_48 = arith.constant 2048 : i32
      %mul3A_49 = arith.muli %scan3A_4, %mul3A_48 : i32
      %add3A_50 = vector.broadcast %mul3A_49 : i32 to vector<2048x1xi32>
      %add3A_51 = arith.addi %and3A_47, %add3A_50 : vector<2048x1xi32>
      %reshape3A_52 = vector.shape_cast %add3A_51 : vector<2048x1xi32> to vector<1x2048xi32>
      %swap3A_53 = arith.index_cast %scan3A_4 : i32 to index
      %swap3A_54 = arith.constant 0 : index
      %swap3A_55 = vector.load %arg3[%swap3A_53, %swap3A_54] : memref<8x2048xi32, #tpu.memory_space<vmem>>, vector<1x2048xi32>
      tpu.vector_store %arg3[%swap3A_53, %swap3A_54], %reshape3A_52 {strides = array<i32>} : memref<8x2048xi32, #tpu.memory_space<vmem>>, vector<1x2048xi32>,
      %iota3A_56 = tpu.iota {dimensions = array<i32: 0>} : vector<2048x2048xi32>
      %or3A_57 = arith.ori %and3A_32, %iota3A_56 : vector<2048x2048xi32>
      %bitcast_convert_type3A_58 = tpu.bitcast %or3A_57 : vector<2048x2048xi32> -> vector<2048x2048xf32>
      %reduce_min3A_59 = arith.constant dense<0x7F800000> : vector<2048xf32>
      %reduce_min3A_60 = vector.multi_reduction <minimumf>, %bitcast_convert_type3A_58, %reduce_min3A_59 [0] : vector<2048x2048xf32> to vector<2048xf32>
      %broadcast_in_dim3A_61 = vector.shape_cast %reduce_min3A_60 : vector<2048xf32> to vector<1x2048xf32>
      %bitcast_convert_type3A_62 = tpu.bitcast %broadcast_in_dim3A_61 : vector<1x2048xf32> -> vector<1x2048xi32>
      %and3A_63 = arith.constant -2048 : i32
      %and3A_64 = vector.broadcast %and3A_63 : i32 to vector<1x2048xi32>
      %and3A_65 = arith.andi %bitcast_convert_type3A_62, %and3A_64 : vector<1x2048xi32>
      %bitcast_convert_type3A_66 = tpu.bitcast %and3A_65 : vector<1x2048xi32> -> vector<1x2048xf32>
      %max3A_67 = arith.constant 0.000000e+00 : f32
      %max3A_68 = vector.broadcast %max3A_67 : f32 to vector<1x2048xf32>
      %max3A_69 = arith.maximumf %bitcast_convert_type3A_66, %max3A_68 : vector<1x2048xf32>
      %sqrt3A_70 = math.sqrt %max3A_69 : vector<1x2048xf32>
      %swap3A_71 = arith.index_cast %scan3A_4 : i32 to index
      %swap3A_72 = arith.constant 0 : index
      %swap3A_73 = vector.load %arg4[%swap3A_71, %swap3A_72] : memref<8x2048xf32, #tpu.memory_space<vmem>>, vector<1x2048xf32>
      tpu.vector_store %arg4[%swap3A_71, %swap3A_72], %sqrt3A_70 {strides = array<i32>} : memref<8x2048xf32, #tpu.memory_space<vmem>>, vector<1x2048xf32>,
      %and3A_74 = arith.constant 2047 : i32
      %and3A_75 = vector.broadcast %and3A_74 : i32 to vector<1x2048xi32>
      %and3A_76 = arith.andi %bitcast_convert_type3A_62, %and3A_75 : vector<1x2048xi32>
      %mul3A_77 = arith.constant 2048 : i32
      %mul3A_78 = arith.muli %scan3A_4, %mul3A_77 : i32
      %add3A_79 = vector.broadcast %mul3A_78 : i32 to vector<1x2048xi32>
      %add3A_80 = arith.addi %and3A_76, %add3A_79 : vector<1x2048xi32>
      %swap3A_81 = arith.index_cast %scan3A_4 : i32 to index
      %swap3A_82 = arith.constant 0 : index
      %swap3A_83 = vector.load %arg5[%swap3A_81, %swap3A_82] : memref<8x2048xi32, #tpu.memory_space<vmem>>, vector<1x2048xi32>
      tpu.vector_store %arg5[%swap3A_81, %swap3A_82], %add3A_80 {strides = array<i32>} : memref<8x2048xi32, #tpu.memory_space<vmem>>, vector<1x2048xi32>,
    }
    %scan3A_3 = arith.constant 8 : i32
    return
  }
}

module attributes {stable_mosaic.version = 14 : i64} {
  func.func @_finalize_body(%arg0: memref<32x16xf32, #tpu.memory_space<vmem>>, %arg1: memref<1x1xf32, #tpu.memory_space<vmem>>) attributes {dimension_semantics = [], scalar_prefetch = 0 : i64, scratch_operands = 0 : i64, tpu.core_type = #tpu.core_type<tc>} {
    %get3A = arith.constant 0 : index
    %get3A_0 = arith.constant 0 : index
    %get3A_1 = vector.load %arg0[%get3A, %get3A_0] : memref<32x16xf32, #tpu.memory_space<vmem>>, vector<32x16xf32>
    %reduce_sum3A = vector.shape_cast %get3A_1 : vector<32x16xf32> to vector<1x32x16xf32>
    %reduce_sum3A_2 = arith.constant dense<0.000000e+00> : vector<1xf32>
    %reduce_sum3A_3 = vector.multi_reduction <add>, %reduce_sum3A, %reduce_sum3A_2 [1, 2] : vector<1x32x16xf32> to vector<1xf32>
    %reduce_sum3A_4 = vector.shape_cast %reduce_sum3A_3 : vector<1xf32> to vector<1x1x1xf32>
    %reduce_sum3A_5 = vector.extract %reduce_sum3A_4[0, 0, 0] : f32 from vector<1x1x1xf32>
    %broadcast_in_dim3A = vector.broadcast %reduce_sum3A_5 : f32 to vector<1x1xf32>
    %swap3A = arith.constant 0 : index
    %swap3A_6 = arith.constant 0 : index
    %swap3A_7 = vector.load %arg1[%swap3A, %swap3A_6] : memref<1x1xf32, #tpu.memory_space<vmem>>, vector<1x1xf32>
    tpu.vector_store %arg1[%swap3A, %swap3A_6], %broadcast_in_dim3A {strides = array<i32>} : memref<1x1xf32, #tpu.memory_space<vmem>>, vector<1x1xf32>,
    return
  }
}

</mosaic_0001>

<sc_bundles>
// kernel: kernel.5.cloned.1.call-start
scs
__scs_entry_jumppad:
0x0: {  	(pc) =	sbr.rel $0x88, $3  }
0x1: {  	(tag) =	ssettag $0x0;
	lr =	simm.s32 $0x1  }
0x2: {  	[smem:$0x3F9D] =	sst lr;
	_ =	strace $0xD0000000  }
0x3: {  	_ = 	snop  }
0x4: {  	_ = 	snop  }
0x5: {  	_ = 	snop  }
0x6: {  	_ = 	snop  }
0x7: {  	_ = 	snop  }
__scs_overlays_trampoline_lowered:
0x8: {  	[smem:$0x3FAC] =	sst s0  }
0x9: {  	[smem:$0x3FAD] =	sst s1  }
0xa: {  	[smem:$0x3FAE] =	sst s2  }
0xb: {  	[smem:$0x3FAF] =	sst s3  }
0xc: {  	[smem:$0x3FB0] =	sst s4  }
0xd: {  	[smem:$0x3FB1] =	sst s5  }
0xe: {  	[smem:$0x3FB2] =	sst s6  }
0xf: {  	[smem:$0x3FB3] =	sst s7  }
0x10: {  	[smem:$0x3FB4] =	sst s8  }
0x11: {  	[smem:$0x3FB5] =	sst s9;
	s0 =	simm.s32 @!p0 $0x0  }
0x12: {  	s1 =	sld [smem:$0x3F9B];
	s0 =	simm.s32 @p0 $0x1  }
0x13: {  	[smem:$0x3FB6] =	sst s0;
	s0 =	simm.s32 @!p1 $0x0  }
0x14: {  	s2 =	sld [smem:$0x3F9A];
	s0 =	simm.s32 @p1 $0x1  }
0x15: {  	[smem:$0x3FB7] =	sst s0;
	s0 =	simm.s32 @!p2 $0x0  }
0x16: {  	s3 =	sld [smem:$0x3FDB];
	s0 =	simm.s32 @p2 $0x1  }
0x17: {  	s4 =	simm.s32 $0x1BF5;
	[smem:$0x3FB9] =	sst s0  }
0x18: {  	s0 =	sld [smem:$0x3F9C];
	_ =	swait.ge [sflag:s4], $0x0  }
0x19: {  	s7 =	sld [smem:$0x3F9D]  }
0x1a: {  	s8 =	sadd.s32 $0xFFFFE003, lr  }
0x1b: {  	s9 =	sadd.s32 $0xFFFFFEF7, lr;
	s5 =	simm.s32 $0xFFFFFFFF;
	p2 =	slt.u32 s8, $0xFFFFF086  }
0x1c: {  	p1 =	slt.u32 s9, $0xF7A;
	s5 =	simm.s32 @!p2 $0x0  }
0x1d: {  	s5 =	simm.s32 @p1 $0x1;
	p0 =	seq.s32 s7, s2  }
0x1e: {  	s7 =	smul.u32 @!p0 $0xF7A, s2;
	p2 =	seq.s32 @!p0 s5, $0x0  }
0x1f: {  	s9 =	smul.u32 $0xF7A, s1;
	s8 =	simm.s32 @!p0 $0x1BF5;
	p2 =	por !p2, p0  }
0x20: {  	[sflag:s8] =	ssyncset.s32 @!p0 $0xFFFFF086;
	s6 =	sadd.s32 @!p0 s3, s7;
	s7 =	simm.s32 @!p0 $0x108  }
0x21: {  	s3 =	sadd.s32 s3, s9;
	s6 =	sadd.s32 @!p0 $0x88, s6;
	s7 =	simm.s32 @p2 $0x1082  }
0x22: {  	[simem:s7], [sflag:s8] =	dma.local @!p0 [hbm:s6], $0xF7A  }
0x23: {  	s9 =	sor.u32 $0xD0000000, s2;
	s6 =	simm.s32 $0x108;
	_ =	swait.ge @!p0 [sflag:s8], $0x0  }
0x24: {  	s3 =	sadd.s32 $0x88, s3;
	s6 =	simm.s32 @!p1 $0x1082;
	[sflag:s4] =	ssyncset.s32 $0xFFFFF086  }
0x25: {  	[simem:s6], [sflag:s4] =	dma.local [hbm:s3], $0xF7A  }
0x26: {  	[smem:$0x3F9D] =	sst s1;
	(tag) =	ssettag s2;
	_ =	strace s9  }
0x27: {  	s1 =	sld [smem:$0x3FAD]  }
0x28: {  	s2 =	sld [smem:$0x3FAE]  }
0x29: {  	s4 =	sld [smem:$0x3FB0]  }
0x2a: {  	p0 =	seq.s32 s5, $0x0;
	s5 =	sld [smem:$0x3FB1]  }
0x2b: {  	s6 =	sld [smem:$0x3FB2]  }
0x2c: {  	s7 =	sld [smem:$0x3FB3]  }
0x2d: {  	s3 =	simm.s32 $0x108;
	s8 =	sld [smem:$0x3FB4]  }
0x2e: {  	s3 =	simm.s32 @!p0 $0x1082;
	s9 =	sld [smem:$0x3FB5]  }
0x2f: {  	lr =	sadd.s32 s0, s3;
	s0 =	sld [smem:$0x3FAC]  }
0x30: {  	s3 =	sld [smem:$0x3FAF]  }
0x31: {  	[smem:$0x3FB8] =	sst s10  }
0x32: {  	s10 =	sld [smem:$0x3FB6];
	_ =	sdelay $0x3  }
0x33: {  	p0 =	seq.s32 s10, $0x1;
	s10 =	sld [smem:$0x3FB8];
	_ =	sdelay $0x3  }
0x34: {  	[smem:$0x3FB8] =	sst s10  }
0x35: {  	s10 =	sld [smem:$0x3FB7];
	_ =	sdelay $0x3  }
0x36: {  	p1 =	seq.s32 s10, $0x1;
	s10 =	sld [smem:$0x3FB8];
	_ =	sdelay $0x3  }
0x37: {  	[smem:$0x3FB8] =	sst s10  }
0x38: {  	s10 =	sld [smem:$0x3FB9]  }
0x39: {  	_ = 	snop;
	(pc) =	sbr.ind lr, $3  }
0x3a: {  	_ = 	snop  }
0x3b: {  	_ = 	snop  }
0x3c: {  	p2 =	seq.s32 s10, $0x1;
	s10 =	sld [smem:$0x3FB8]  }
0x3d: {  	_ =	shalt  }
0x3e: {  	_ =	shalt  }
0x3f: {  	_ =	shalt  }
0x40: {  	_ =	shalt  }
0x41: {  	_ =	shalt  }
0x42: {  	_ =	shalt  }
0x43: {  	_ =	shalt  }
0x44: {  	_ =	shalt  }
0x45: {  	_ =	shalt  }
0x46: {  	_ =	shalt  }
0x47: {  	_ =	shalt  }
0x48: {  	_ =	shalt  }
0x49: {  	_ =	shalt  }
0x4a: {  	_ =	shalt  }
0x4b: {  	_ =	shalt  }
0x4c: {  	_ =	shalt  }
0x4d: {  	_ =	shalt  }
0x4e: {  	_ =	shalt  }
0x4f: {  	_ =	shalt  }
0x50: {  	_ =	shalt  }
0x51: {  	_ =	shalt  }
0x52: {  	_ =	shalt  }
0x53: {  	_ =	shalt  }
0x54: {  	_ =	shalt  }
0x55: {  	_ =	shalt  }
0x56: {  	_ =	shalt  }
0x57: {  	_ =	shalt  }
0x58: {  	_ =	shalt  }
0x59: {  	_ =	shalt  }
0x5a: {  	_ =	shalt  }
0x5b: {  	_ =	shalt  }
0x5c: {  	_ =	shalt  }
0x5d: {  	_ =	shalt  }
0x5e: {  	_ =	shalt  }
0x5f: {  	_ =	shalt  }
0x60: {  	_ =	shalt  }
0x61: {  	_ =	shalt  }
0x62: {  	_ =	shalt  }
0x63: {  	_ =	shalt  }
0x64: {  	_ =	shalt  }
0x65: {  	_ =	shalt  }
0x66: {  	_ =	shalt  }
0x67: {  	_ =	shalt  }
0x68: {  	_ =	shalt  }
0x69: {  	_ =	shalt  }
0x6a: {  	_ =	shalt  }
0x6b: {  	_ =	shalt  }
0x6c: {  	_ =	shalt  }
0x6d: {  	_ =	shalt  }
0x6e: {  	_ =	shalt  }
0x6f: {  	_ =	shalt  }
0x70: {  	_ =	shalt  }
0x71: {  	_ =	shalt  }
0x72: {  	_ =	shalt  }
0x73: {  	_ =	shalt  }
0x74: {  	_ =	shalt  }
0x75: {  	_ =	shalt  }
0x76: {  	_ =	shalt  }
0x77: {  	_ =	shalt  }
0x78: {  	_ =	shalt  }
0x79: {  	_ =	shalt  }
0x7a: {  	_ =	shalt  }
0x7b: {  	_ =	shalt  }
0x7c: {  	_ =	shalt  }
0x7d: {  	_ =	shalt  }
0x7e: {  	_ =	shalt  }
0x7f: {  	_ =	shalt  }
0x80: {  	_ =	shalt  }
0x81: {  	_ =	shalt  }
0x82: {  	_ =	shalt  }
0x83: {  	_ =	shalt  }
0x84: {  	_ =	shalt  }
0x85: {  	_ =	shalt  }
0x86: {  	_ =	shalt  }
0x87: {  	_ =	shalt  }
.Lfunc_end0:
.L_simem_size_0:
called_computation_lowered:
.L_overlay_start_0:
0x88: {  	s2 =	sld [smem:$0x3FD9]  }
0x89: {  	s3 =	sld [smem:$0x3FFE];
	_ =	sdelay $0x1  }
0x8a: {  	s1 =	srdreg.scid  }
0x8b: {  	s0 =	sand.u32 $0x1, s1  }
0x8c: {  	s16 =	sshll.u32 s0, $0xA;
	s2 =	sadd.s32 s3, s2  }
0x8d: {  	s2 =	sadd.s32 s2, s16  }
0x8e: {  	[smem:$0x3FC4] =	sst s2  }
0x8f: {  	_ = 	snop  }
0x90: {  	(tm) =	ssettm $0x1  }
0x91: {  	s17 =	sld [smem:$0x3FFB];
	_ =	sdelay $0x3  }
0x92: {  	_ =	strace s17  }
0x93: {  	s2 =	sld [smem:$0x3FFC];
	_ =	sdelay $0x3  }
0x94: {  	_ =	strace s2  }
0x95: {  	s2 =	sld [smem:$0x3FFD];
	_ =	sdelay $0x3  }
0x96: {  	_ =	strace s2  }
0x97: {  	_ =	strace $0x8FFFFFFF  }
0x98: {  	s18 =	sld [smem:$0x3FDB];
	_ =	sdelay $0x1  }
0x99: {  	s19 =	simm.s32 $_scs_section_size  }
0x9a: {  	s4 =	simm.s32 $_size__tile_overlayer_lowered;
	s5 =	simm.s32 $_tile_overlayer_lowered  }
0x9b: {  	s22 =	simm.s32 $0x1BFF;
	s21 =	sshll.u32 s5, $0x1;
	s2 =	sadd.s32 s19, s18  }
0x9c: {  	s6 =	simm.s32 $0x0;
	s20 =	sshll.u32 s4, $0x1;
	s4 =	sadd.s32 s21, s2  }
0x9d: {  	[timem:s6], [sflag:s22] =	dma.local [hbm:s4], s20  }
0x9e: {  	_ =	swait.ge [sflag:s22], s20  }
0x9f: {  	s3 =	ssub.s32 $0x0, s20;
	[sflag:s22] =	ssyncset.done $0x0  }
0xa0: {  	[sflag:s22] =	ssyncadd.s32 s3;
	_ =	sdelay $0x1  }
0xa1: {  	s23 =	simm.s32 $0x1B8B  }
0xa2: {  	_ =	swait.ge [sflag:s23], $0x1  }
0xa3: {  	[sflag:s23] =	ssyncset.done $0x0  }
0xa4: {  	s25 =	simm.s32 $0x1B8E;
	s24 =	sld [smem:$0x3FFE];
	[sflag:s23] =	ssyncadd.s32 $0xFFFFFFFF  }
0xa5: {  	s26 =	simm.s32 $execute0_lowered;
	[smem:$0x3FD2] =	sst s25  }
0xa6: {  	s4 =	sshll.u32 s26, $0x1;
	_ =	strace $0x80000046;
	[dreg:$0x1] =	wrdreg $0xFFFFFFFF  }
0xa7: {  	s28 =	simm.s32 $_size_execute0_lowered;
	s2 =	sadd.s32 s2, s4;
	[dreg:$0x0] =	wrdreg $0x0  }
0xa8: {  	s4 =	sshll.u32 s28, $0x1;
	[dreg:$0x2] =	wrdreg s2  }
0xa9: {  	[dreg:$0x3] =	wrdreg s4  }
0xaa: {  	[dreg:$0x4] =	wrdreg $0xC0  }
0xab: {  	_ =	task [dreg:s6], $0x5FFFF  }
0xac: {  	[dreg:$0x1] =	wrdreg $0xFFFFFFFF  }
0xad: {  	[dreg:$0x0] =	wrdreg $0x60  }
0xae: {  	[dreg:$0x2] =	wrdreg s24  }
0xaf: {  	[dreg:$0x3] =	wrdreg $0x9  }
0xb0: {  	_ =	task.clear_ibuf [dreg:s6], $0x4FFFF;
	_ =	strace $0x90000046  }
0xb1: {  	s29 =	simm.s32 $0x9;
	_ =	strace $0x80000048  }
0xb2: {  	_ =	swait.ge [sflag:s29], $0x1  }
0xb3: {  	[sflag:s29] =	ssyncadd.s32 $0xFFFFFFFF  }
0xb4: {  	_ =	strace $0x90000048  }
0xb5: {  	_ =	sfence  }
0xb6: {  	s30 =	sld [smem:$0x0];
	_ =	sdelay $0x2  }
0xb7: {  	s31 =	sshll.u32 s1, $0xD;
	s1 =	sshrl.u32 s1, $0x2  }
0xb8: {  	s3 =	sand.u32 $0x4000, s31;
	s1 =	sadd.s32 s1, s30  }
0xb9: {  	s0 =	sor.u32 s3, s0;
	s1 =	sshll.u32 s1, $0x11  }
0xba: {  	s0 =	sor.u32 s1, s0  }
0xbb: {  	s0 =	sadd.s32 $0x8F2B, s0  }
0xbc: {  	[sflag:s0] =	ssyncadd.remote.s32 $0x1  }
0xbd: {  	_ =	sfence.sel $0xFFFF  }
0xbe: {  	[dreg:$0x0] =	wrdreg $0xFFFFFFFF;
	(pc) =	sbr.abs _section_cstart, $3  }
0xbf: {  	[dreg:$0x1] =	wrdreg $0xFFFFFFFF  }
0xc0: {  	_ =	task.clear_ibuf [dreg:s6], $0x2FFFF;
	_ =	strace $0x9FFFFFFF  }
0xc1: {  	(tm) =	ssettm $0x7FFFFFFF  }
tec
execute0_lowered:
.L_overlay_start_1:
0x0: {  	(tag) =	ssettag $0x1  }
0x1: {  	s1 =	srdreg.scid;
	s0 =	stileid.u32  }
0x2: {  	s5 =	rddreg [dreg:$0x0];
	s11 =	simm.s32 $0xC00;
	s12 =	simm.s32 $0xE00  }
0x3: {  	s13 =	simm.s32 $0x1;
	s14 =	simm.s32 $0x80;
	s15 =	simm.s32 $0x200  }
0x4: {  	s16 =	simm.s32 $0x280;
	s17 =	simm.s32 $0x100;
	s18 =	simm.s32 $0x300  }
0x5: {  	s19 =	simm.s32 $0x180;
	s20 =	simm.s32 $0x380;
	s21 =	simm.s32 $0xA00  }
0x6: {  	s22 =	simm.s32 $0x880;
	s23 =	simm.s32 $0xA80;
	s28 =	simm.s32 $0xB80  }
0x7: {  	s29 =	simm.s32 $0x2;
	s30 =	simm.s32 $0x3;
	s31 =	simm.s32 $0x1000  }
0x8: {  	s1 =	sand.u32 $0x1, s1;
	s2 =	sshll.u32 s0, $0x1;
	s3 =	sadd.s32 $0x3600, s5  }
0x9: {  	s4 =	sadd.s32 $0x2E00, s5;
	s6 =	sor.u32 s1, s2;
	s2 =	simm.s32 $0x0  }
0xa: {  	s1 =	ssub.s32 $0x2, s1;
	s7 =	sshll.u32 s6, $0x6;
	[smem:$0x7FF] =	sst s2  }
0xb: {  	s6 =	sshll.u32 s6, $0x4;
	s10 =	sshrl.u32 s1, $0x1;
	s8 =	sadd.s32 s7, s5  }
0xc: {  	_ =	strace $0x80000047;
	s26 =	sadd.s32 s3, s7;
	s6 =	sadd.s32 s6, s5  }
0xd: {  	s1 =	ssub.s32 s1, s10;
	s9 =	sadd.s32 $0x1E00, s8;
	[dreg:$0x5] =	wrdreg s26  }
0xe: {  	s5 =	sadd.s32 s4, s7;
	s24 =	sadd.s32 $0xE00, s8;
	[dreg:$0x2] =	wrdreg s9  }
0xf: {  	s25 =	sadd.s32 $0x1600, s8;
	s8 =	sadd.s32 $0x2600, s8;
	[dreg:$0x3] =	wrdreg s24  }
0x10: {  	s6 =	sadd.s32 $0x3E00, s6;
	s7 =	smax.u32 s1, $0x1;
	[dreg:$0x4] =	wrdreg s25  }
0x11: {  	s26 =	simm.s32 $0x980;
	s1 =	simm.s32 $0x4;
	[dreg:$0x6] =	wrdreg s8  }
0x12: {  	s8 =	simm.s32 $0x800;
	s24 =	simm.s32 $0x900;
	s25 =	simm.s32 $0xB00  }
.LBB2_1:
0x13: {  	s0 =	rddreg [dreg:$0x2]  }
0x14: {  	[tilespmem:s2], [sflag:$0x1] =	stream.linear.gather [hbm4b:s0+s2], $0x200, $0x38;
	[tilespmem:$0x1080] =	vst v63  }
0x15: {  	s9 =	rddreg [dreg:$0x3]  }
0x16: {  	[tilespmem:s8], [sflag:$0x1] =	stream.linear.gather [hbm4b:s9+s2], $0x200, $0x38;
	[tilespmem:$0x1080] =	vst v63  }
0x17: {  	s10 =	simm.s32 $0x400;
	s0 =	rddreg [dreg:$0x4]  }
0x18: {  	[tilespmem:s10], [sflag:$0x2] =	stream.linear.gather [hbm4b:s0+s2], $0x200, $0x38;
	[tilespmem:$0x1080] =	vst v63  }
0x19: {  	s9 =	rddreg [dreg:$0x5];
	s10 =	simm.s32 $0x600  }
0x1a: {  	[tilespmem:s10], [sflag:$0x2] =	stream.linear.gather [hbm4b:s9+s2], $0x200, $0x38;
	[tilespmem:$0x1080] =	vst v63  }
0x1b: {  	s0 =	rddreg [dreg:$0x6]  }
0x1c: {  	[tilespmem:s11], [sflag:$0x2] =	stream.linear.gather [hbm4b:s0+s2], $0x200, $0x38;
	[tilespmem:$0x1080] =	vst v63  }
0x1d: {  	_ = 	snop  }
0x1e: {  	[tilespmem:s12], [sflag:$0x2] =	stream.linear.gather [hbm4b:s5+s2], $0x200, $0x38;
	[tilespmem:$0x1080] =	vst v63  }
0x1f: {  	_ =	swait.ge [sflag:s13], $0x200  }
0x20: {  	[sflag:s13] =	ssyncset.done $0x0  }
0x21: {  	[sflag:s13] =	ssyncadd.s32 $0xFFFFFE00  }
0x22: {  	_ =	swait.ge [sflag:s13], $0x200  }
0x23: {  	[sflag:s13] =	ssyncset.done $0x0  }
0x24: {  	[sflag:s13] =	ssyncadd.s32 $0xFFFFFE00  }
0x25: {  	[tilespmem:s15], [sflag:$0x3] =	stream.indirect.gather [hbm4b:s4+s14], $0x1, s2, s14, $0xb8;
	[tilespmem:$0x1080] =	vst v63  }
0x26: {  	_ = 	snop  }
0x27: {  	[tilespmem:s16], [sflag:$0x3] =	stream.indirect.gather [hbm4b:s4+s14], $0x1, s14, s14, $0xb8;
	[tilespmem:$0x1080] =	vst v63  }
0x28: {  	_ = 	snop  }
0x29: {  	[tilespmem:s18], [sflag:$0x3] =	stream.indirect.gather [hbm4b:s4+s14], $0x1, s17, s14, $0xb8;
	[tilespmem:$0x1080] =	vst v63  }
0x2a: {  	_ = 	snop  }
0x2b: {  	[tilespmem:s20], [sflag:$0x3] =	stream.indirect.gather [hbm4b:s4+s14], $0x1, s19, s14, $0xb8;
	[tilespmem:$0x1080] =	vst v63  }
0x2c: {  	_ = 	snop  }
0x2d: {  	[tilespmem:s21], [sflag:$0x3] =	stream.indirect.gather [hbm4b:s3+s14], $0x1, s8, s14, $0xb8;
	[tilespmem:$0x1080] =	vst v63  }
0x2e: {  	_ = 	snop  }
0x2f: {  	[tilespmem:s23], [sflag:$0x3] =	stream.indirect.gather [hbm4b:s3+s14], $0x1, s22, s14, $0xb8;
	[tilespmem:$0x1080] =	vst v63  }
0x30: {  	_ = 	snop  }
0x31: {  	[tilespmem:s25], [sflag:$0x3] =	stream.indirect.gather [hbm4b:s3+s14], $0x1, s24, s14, $0xb8;
	[tilespmem:$0x1080] =	vst v63  }
0x32: {  	_ = 	snop  }
0x33: {  	[tilespmem:s28], [sflag:$0x3] =	stream.indirect.gather [hbm4b:s3+s14], $0x1, s26, s14, $0xb8;
	[tilespmem:$0x1080] =	vst v63  }
0x34: {  	_ =	swait.ge [sflag:s29], $0x200  }
0x35: {  	[sflag:s29] =	ssyncset.done $0x0  }
0x36: {  	[sflag:s29] =	ssyncadd.s32 $0xFFFFFE00  }
0x37: {  	_ =	swait.ge [sflag:s29], $0x200  }
0x38: {  	[sflag:s29] =	ssyncset.done $0x0  }
0x39: {  	[sflag:s29] =	ssyncadd.s32 $0xFFFFFE00  }
0x3a: {  	_ =	swait.ge [sflag:s29], $0x200  }
0x3b: {  	[sflag:s29] =	ssyncset.done $0x0  }
0x3c: {  	[sflag:s29] =	ssyncadd.s32 $0xFFFFFE00  }
0x3d: {  	_ =	swait.ge [sflag:s29], $0x200  }
0x3e: {  	[sflag:s29] =	ssyncset.done $0x0  }
0x3f: {  	[sflag:s29] =	ssyncadd.s32 $0xFFFFFE00  }
0x40: {  	_ =	swait.ge [sflag:s30], $0x80  }
0x41: {  	[sflag:s30] =	ssyncset.done $0x0  }
0x42: {  	[sflag:s30] =	ssyncadd.s32 $0xFFFFFF80  }
0x43: {  	_ =	swait.ge [sflag:s30], $0x80  }
0x44: {  	[sflag:s30] =	ssyncset.done $0x0  }
0x45: {  	[sflag:s30] =	ssyncadd.s32 $0xFFFFFF80  }
0x46: {  	_ =	swait.ge [sflag:s30], $0x80  }
0x47: {  	[sflag:s30] =	ssyncset.done $0x0  }
0x48: {  	[sflag:s30] =	ssyncadd.s32 $0xFFFFFF80  }
0x49: {  	_ =	swait.ge [sflag:s30], $0x80  }
0x4a: {  	[sflag:s30] =	ssyncset.done $0x0  }
0x4b: {  	[sflag:s30] =	ssyncadd.s32 $0xFFFFFF80  }
0x4c: {  	_ =	swait.ge [sflag:s30], $0x80  }
0x4d: {  	[sflag:s30] =	ssyncset.done $0x0  }
0x4e: {  	[sflag:s30] =	ssyncadd.s32 $0xFFFFFF80  }
0x4f: {  	_ =	swait.ge [sflag:s30], $0x80  }
0x50: {  	[sflag:s30] =	ssyncset.done $0x0  }
0x51: {  	[sflag:s30] =	ssyncadd.s32 $0xFFFFFF80  }
0x52: {  	_ =	swait.ge [sflag:s30], $0x80  }
0x53: {  	[sflag:s30] =	ssyncset.done $0x0  }
0x54: {  	[sflag:s30] =	ssyncadd.s32 $0xFFFFFF80  }
0x55: {  	_ =	swait.ge [sflag:s30], $0x80  }
0x56: {  	[sflag:s30] =	ssyncset.done $0x0  }
0x57: {  	[sflag:s30] =	ssyncadd.s32 $0xFFFFFF80  }
0x58: {  	v42 =	vld [tilespmem:$0x400]  }
0x59: {  	v37 =	vld [tilespmem:$0x600]  }
0x5a: {  	v36 =	vld [tilespmem:$0x200]  }
0x5b: {  	v43 =	vld [tilespmem:$0x410]  }
0x5c: {  	v39 =	vld [tilespmem:$0x610]  }
0x5d: {  	v38 =	vld [tilespmem:$0x210]  }
0x5e: {  	v46 =	vld [tilespmem:$0x420]  }
0x5f: {  	v41 =	vld [tilespmem:$0x620]  }
0x60: {  	v40 =	vld [tilespmem:$0x220]  }
0x61: {  	v49 =	vld [tilespmem:$0x430]  }
0x62: {  	v45 =	vld [tilespmem:$0x630]  }
0x63: {  	v44 =	vld [tilespmem:$0x230]  }
0x64: {  	v52 =	vld [tilespmem:$0x440]  }
0x65: {  	v48 =	vld [tilespmem:$0x640]  }
0x66: {  	v47 =	vld [tilespmem:$0x240]  }
0x67: {  	v55 =	vld [tilespmem:$0x450]  }
0x68: {  	v51 =	vld [tilespmem:$0x650]  }
0x69: {  	v50 =	vld [tilespmem:$0x250]  }
0x6a: {  	v58 =	vld [tilespmem:$0x460]  }
0x6b: {  	v54 =	vld [tilespmem:$0x660]  }
0x6c: {  	v53 =	vld [tilespmem:$0x260]  }
0x6d: {  	v61 =	vld [tilespmem:$0x470]  }
0x6e: {  	v57 =	vld [tilespmem:$0x670]  }
0x6f: {  	v56 =	vld [tilespmem:$0x270]  }
0x70: {  	v0 =	vld [tilespmem:$0x480]  }
0x71: {  	v60 =	vld [tilespmem:$0x680]  }
0x72: {  	v59 =	vld [tilespmem:$0x280]  }
0x73: {  	v34 =	vld [tilespmem:$0x490]  }
0x74: {  	v63 =	vld [tilespmem:$0x690]  }
0x75: {  	v62 =	vld [tilespmem:$0x290]  }
0x76: {  	v35 =	vld [tilespmem:$0x4A0]  }
0x77: {  	v4 =	vld [tilespmem:$0x6A0]  }
0x78: {  	v5 =	vld [tilespmem:$0x2A0]  }
0x79: {  	v6 =	vld [tilespmem:$0x4B0]  }
0x7a: {  	v7 =	vld [tilespmem:$0x6B0]  }
0x7b: {  	v8 =	vld [tilespmem:$0x2B0]  }
0x7c: {  	v9 =	vld [tilespmem:$0x4C0]  }
0x7d: {  	v10 =	vld [tilespmem:$0x6C0]  }
0x7e: {  	v11 =	vld [tilespmem:$0x2C0]  }
0x7f: {  	v12 =	vld [tilespmem:$0x4D0]  }
0x80: {  	v13 =	vld [tilespmem:$0x6D0]  }
0x81: {  	v14 =	vld [tilespmem:$0x2D0]  }
0x82: {  	v15 =	vld [tilespmem:$0x4E0]  }
0x83: {  	v16 =	vld [tilespmem:$0x6E0]  }
0x84: {  	v17 =	vld [tilespmem:$0x2E0]  }
0x85: {  	v18 =	vld [tilespmem:$0x4F0]  }
0x86: {  	v19 =	vld [tilespmem:$0x6F0]  }
0x87: {  	v20 =	vld [tilespmem:$0x2F0]  }
0x88: {  	v21 =	vld [tilespmem:$0x500]  }
0x89: {  	v22 =	vld [tilespmem:$0x700]  }
0x8a: {  	v23 =	vld [tilespmem:$0x300]  }
0x8b: {  	v24 =	vld [tilespmem:$0x510]  }
0x8c: {  	v25 =	vld [tilespmem:$0x710]  }
0x8d: {  	v26 =	vld [tilespmem:$0x310]  }
0x8e: {  	v27 =	vld [tilespmem:$0x520]  }
0x8f: {  	v28 =	vld [tilespmem:$0x720]  }
0x90: {  	v29 =	vld [tilespmem:$0x320]  }
0x91: {  	v30 =	vld [tilespmem:$0x530]  }
0x92: {  	v31 =	vld [tilespmem:$0x730]  }
0x93: {  	v32 =	vld [tilespmem:$0x330]  }
0x94: {  	v33 =	vld [tilespmem:$0x540]  }
0x95: {  	v1 =	vld [tilespmem:$0xE00]  }
0x96: {  	v3 =	vld [tilespmem:$0xE10]  }
0x97: {  	v2 =	vld [tilespmem:$0xA10]  }
0x98: {  	[tilespmem:$0x1FBE0] =	vst v34;
	v34 =	vld [tilespmem:$0x740]  }
0x99: {  	[tilespmem:$0x1FC10] =	vst v35;
	v35 =	vld [tilespmem:$0x340]  }
0x9a: {  	[tilespmem:$0x1FBF0] =	vst v4;
	v4 =	vld [tilespmem:$0x550]  }
0x9b: {  	[tilespmem:$0x1FC00] =	vst v5;
	v5 =	vld [tilespmem:$0x750]  }
0x9c: {  	[tilespmem:$0x1FC40] =	vst v6;
	v6 =	vld [tilespmem:$0x350]  }
0x9d: {  	[tilespmem:$0x1FC20] =	vst v7;
	v7 =	vld [tilespmem:$0x560]  }
0x9e: {  	[tilespmem:$0x1FC30] =	vst v8;
	v8 =	vld [tilespmem:$0x760]  }
0x9f: {  	[tilespmem:$0x1FC70] =	vst v9;
	v9 =	vld [tilespmem:$0x360]  }
0xa0: {  	[tilespmem:$0x1FC50] =	vst v10;
	v10 =	vld [tilespmem:$0x570]  }
0xa1: {  	[tilespmem:$0x1FC60] =	vst v11;
	v11 =	vld [tilespmem:$0x770]  }
0xa2: {  	[tilespmem:$0x1FCA0] =	vst v12;
	v12 =	vld [tilespmem:$0x370]  }
0xa3: {  	[tilespmem:$0x1FC80] =	vst v13;
	v13 =	vld [tilespmem:$0x580]  }
0xa4: {  	[tilespmem:$0x1FC90] =	vst v14;
	v14 =	vld [tilespmem:$0x780]  }
0xa5: {  	[tilespmem:$0x1FCD0] =	vst v15;
	v15 =	vld [tilespmem:$0x380]  }
0xa6: {  	[tilespmem:$0x1FCB0] =	vst v16;
	v16 =	vld [tilespmem:$0x590]  }
0xa7: {  	[tilespmem:$0x1FCC0] =	vst v17;
	v17 =	vld [tilespmem:$0x790]  }
0xa8: {  	[tilespmem:$0x1FD00] =	vst v18;
	v18 =	vld [tilespmem:$0x390]  }
0xa9: {  	[tilespmem:$0x1FCE0] =	vst v19;
	v19 =	vld [tilespmem:$0x5A0]  }
0xaa: {  	[tilespmem:$0x1FCF0] =	vst v20;
	v20 =	vld [tilespmem:$0x7A0]  }
0xab: {  	[tilespmem:$0x1FD30] =	vst v21;
	v21 =	vld [tilespmem:$0x3A0]  }
0xac: {  	[tilespmem:$0x1FD10] =	vst v22;
	v22 =	vld [tilespmem:$0x5B0]  }
0xad: {  	[tilespmem:$0x1FD20] =	vst v23;
	v23 =	vld [tilespmem:$0x7B0]  }
0xae: {  	[tilespmem:$0x1FD60] =	vst v24;
	v24 =	vld [tilespmem:$0x3B0]  }
0xaf: {  	[tilespmem:$0x1FD40] =	vst v25;
	v25 =	vld [tilespmem:$0x5C0]  }
0xb0: {  	[tilespmem:$0x1FD50] =	vst v26;
	v26 =	vld [tilespmem:$0x7C0]  }
0xb1: {  	[tilespmem:$0x1FD90] =	vst v27;
	v27 =	vld [tilespmem:$0x3C0]  }
0xb2: {  	[tilespmem:$0x1FD70] =	vst v28;
	v28 =	vld [tilespmem:$0x5D0]  }
0xb3: {  	[tilespmem:$0x1FD80] =	vst v29;
	v29 =	vld [tilespmem:$0x7D0]  }
0xb4: {  	[tilespmem:$0x1FDC0] =	vst v30;
	v30 =	vld [tilespmem:$0x3D0]  }
0xb5: {  	[tilespmem:$0x1FDA0] =	vst v31;
	v31 =	vld [tilespmem:$0x5E0]  }
0xb6: {  	[tilespmem:$0x1FDB0] =	vst v32;
	v32 =	vld [tilespmem:$0x7E0]  }
0xb7: {  	[tilespmem:$0x1FDF0] =	vst v33;
	v33 =	vld [tilespmem:$0x3E0]  }
0xb8: {  	[tilespmem:$0x1FBD0] =	vst v0;
	v0 =	vld [tilespmem:$0xA00]  }
0xb9: {  	v36 =	vadd.f32 v36, v37;
	v37 =	vld [tilespmem:$0xCC0]  }
0xba: {  	v38 =	vadd.f32 v38, v39;
	v39 =	vld [tilespmem:$0xAC0]  }
0xbb: {  	v2 =	vadd.f32 v2, v3;
	v3 =	vld [tilespmem:$0xCD0]  }
0xbc: {  	v60 =	vadd.f32 v59, v60;
	v59 =	vld [tilespmem:$0x1FC80]  }
0xbd: {  	[tilespmem:$0x1FDD0] =	vst v34;
	v34 =	vld [tilespmem:$0x7F0]  }
0xbe: {  	[tilespmem:$0x1FDE0] =	vst v35;
	v35 =	vld [tilespmem:$0x3F0]  }
0xbf: {  	[tilespmem:$0x1FE20] =	vst v4;
	v4 =	vld [tilespmem:$0xC00]  }
0xc0: {  	[tilespmem:$0x1FE50] =	vst v7;
	v7 =	vld [tilespmem:$0xC10]  }
0xc1: {  	[tilespmem:$0x1FE80] =	vst v10;
	v10 =	vld [tilespmem:$0xC20]  }
0xc2: {  	[tilespmem:$0x1FE10] =	vst v6;
	v6 =	vld [tilespmem:$0xE20]  }
0xc3: {  	[tilespmem:$0x1FE00] =	vst v5;
	v5 =	vld [tilespmem:$0xA20]  }
0xc4: {  	[tilespmem:$0x1FEB0] =	vst v13;
	v13 =	vld [tilespmem:$0xC30]  }
0xc5: {  	[tilespmem:$0x1FE40] =	vst v9;
	v9 =	vld [tilespmem:$0xE30]  }
0xc6: {  	[tilespmem:$0x1FE30] =	vst v8;
	v8 =	vld [tilespmem:$0xA30]  }
0xc7: {  	[tilespmem:$0x1FEE0] =	vst v16;
	v16 =	vld [tilespmem:$0xC40]  }
0xc8: {  	[tilespmem:$0x1FE70] =	vst v12;
	v12 =	vld [tilespmem:$0xE40]  }
0xc9: {  	[tilespmem:$0x1FE60] =	vst v11;
	v11 =	vld [tilespmem:$0xA40]  }
0xca: {  	[tilespmem:$0x1FF10] =	vst v19;
	v19 =	vld [tilespmem:$0xC50]  }
0xcb: {  	[tilespmem:$0x1FEA0] =	vst v15;
	v15 =	vld [tilespmem:$0xE50]  }
0xcc: {  	[tilespmem:$0x1FE90] =	vst v14;
	v14 =	vld [tilespmem:$0xA50]  }
0xcd: {  	[tilespmem:$0x1FF40] =	vst v22;
	v22 =	vld [tilespmem:$0xC60]  }
0xce: {  	[tilespmem:$0x1FED0] =	vst v18;
	v18 =	vld [tilespmem:$0xE60]  }
0xcf: {  	[tilespmem:$0x1FEC0] =	vst v17;
	v17 =	vld [tilespmem:$0xA60]  }
0xd0: {  	[tilespmem:$0x1FF70] =	vst v25;
	v25 =	vld [tilespmem:$0xC70]  }
0xd1: {  	[tilespmem:$0x1FF00] =	vst v21;
	v21 =	vld [tilespmem:$0xE70]  }
0xd2: {  	[tilespmem:$0x1FEF0] =	vst v20;
	v20 =	vld [tilespmem:$0xA70]  }
0xd3: {  	[tilespmem:$0x1FFA0] =	vst v28;
	v28 =	vld [tilespmem:$0xC80]  }
0xd4: {  	[tilespmem:$0x1FF30] =	vst v24;
	v24 =	vld [tilespmem:$0xE80]  }
0xd5: {  	[tilespmem:$0x1FF20] =	vst v23;
	v23 =	vld [tilespmem:$0xA80]  }
0xd6: {  	[tilespmem:$0x1FFD0] =	vst v31;
	v31 =	vld [tilespmem:$0xC90]  }
0xd7: {  	[tilespmem:$0x1FF60] =	vst v27;
	v27 =	vld [tilespmem:$0xE90]  }
0xd8: {  	[tilespmem:$0x1FF50] =	vst v26;
	v26 =	vld [tilespmem:$0xA90]  }
0xd9: {  	[tilespmem:$0x1FF90] =	vst v30;
	v30 =	vld [tilespmem:$0xEA0]  }
0xda: {  	[tilespmem:$0x1FF80] =	vst v29;
	v29 =	vld [tilespmem:$0xAA0]  }
0xdb: {  	[tilespmem:$0x1FFC0] =	vst v33;
	v33 =	vld [tilespmem:$0xEB0]  }
0xdc: {  	[tilespmem:$0x1FFB0] =	vst v32;
	v32 =	vld [tilespmem:$0xAB0]  }
0xdd: {  	v0 =	vadd.f32 v0, v1;
	v1 =	vld [tilespmem:$0xEC0]  }
0xde: {  	[tilespmem:$0x1FFE0] =	vst v34;
	v34 =	vld [tilespmem:$0xCA0]  }
0xdf: {  	[tilespmem:$0x1FFF0] =	vst v35;
	v35 =	vld [tilespmem:$0xCB0]  }
0xe0: {  	v0 =	vmul.f32 v0, v4;
	v4 =	vmul.f32 v38, v43;
	v38 =	vadd.f32 v40, v41;
	v40 =	vld [tilespmem:$0xED0]  }
0xe1: {  	v45 =	vadd.f32 v44, v45;
	v5 =	vadd.f32 v5, v6;
	v6 =	vld [tilespmem:$0xAD0]  }
0xe2: {  	v41 =	vadd.f32 v8, v9;
	v8 =	vld [tilespmem:$0xEE0]  }
0xe3: {  	v36 =	vmul.f32 v36, v42;
	v42 =	vmul.f32 v45, v49;
	v45 =	vadd.f32 v11, v12;
	v11 =	vld [tilespmem:$0xCF0]  }
0xe4: {  	v12 =	vld [tilespmem:$0xEF0]  }
0xe5: {  	v49 =	vadd.f32 v14, v15;
	v14 =	vld [tilespmem:$0xD00]  }
0xe6: {  	v15 =	vld [tilespmem:$0xF00]  }
0xe7: {  	v43 =	vmul.f32 v38, v46;
	v38 =	vld [tilespmem:$0xCE0]  }
0xe8: {  	v36 =	vadd.f32 $0.0e+00, v36;
	v46 =	vmul.f32 v5, v10;
	v10 =	vld [tilespmem:$0xAE0]  }
0xe9: {  	v44 =	vmul.f32 v41, v13;
	v13 =	vld [tilespmem:$0xAF0]  }
0xea: {  	v4 =	vadd.f32 v4, v36;
	v36 =	vld [tilespmem:$0x1FBD0]  }
0xeb: {  	v5 =	vld [tilespmem:$0xF40]  }
0xec: {  	v1 =	vadd.f32 v39, v1;
	v41 =	vadd.f32 v62, v63;
	v62 =	vld [tilespmem:$0x1FCA0]  }
0xed: {  	v2 =	vmul.f32 v2, v7;
	v63 =	vld [tilespmem:$0x1FCB0]  }
0xee: {  	v0 =	vadd.f32 $0.0e+00, v0;
	v1 =	vmul.f32 v1, v37;
	v37 =	vld [tilespmem:$0x1FCF0];
	v4 =	vadd.f32 v43, v4  }
0xef: {  	v43 =	vadd.f32 v47, v48;
	v47 =	vadd.f32 v50, v51;
	v48 =	vmul.f32 v45, v16;
	v16 =	vld [tilespmem:$0xB00]  }
0xf0: {  	v51 =	vadd.f32 v53, v54;
	v53 =	vadd.f32 v17, v18;
	v17 =	vld [tilespmem:$0xD10]  }
0xf1: {  	v0 =	vadd.f32 v2, v0;
	v18 =	vld [tilespmem:$0xF10]  }
0xf2: {  	v45 =	vld [tilespmem:$0x1FBF0]  }
0xf3: {  	v0 =	vadd.f32 v46, v0;
	v46 =	vmul.f32 v43, v52;
	v52 =	vmul.f32 v49, v19;
	v19 =	vld [tilespmem:$0xB10]  }
0xf4: {  	v50 =	vmul.f32 v47, v55;
	v55 =	vadd.f32 v56, v57;
	v57 =	vadd.f32 v20, v21;
	v20 =	vld [tilespmem:$0xD20]  }
0xf5: {  	v21 =	vld [tilespmem:$0xF20]  }
0xf6: {  	v56 =	vmul.f32 v53, v22;
	v22 =	vld [tilespmem:$0xB20]  }
0xf7: {  	v49 =	vld [tilespmem:$0x1FC10]  }
0xf8: {  	v54 =	vmul.f32 v51, v58;
	v51 =	vld [tilespmem:$0x1FC30]  }
0xf9: {  	v43 =	vadd.f32 v26, v27;
	v26 =	vld [tilespmem:$0xD40]  }
0xfa: {  	v27 =	vld [tilespmem:$0xB40]  }
0xfb: {  	v53 =	vadd.f32 v32, v33;
	v32 =	vld [tilespmem:$0x1FCC0]  }
0xfc: {  	v7 =	vmul.f32 v60, v36;
	v60 =	vld [tilespmem:$0x1FC90]  }
0xfd: {  	v4 =	vadd.f32 v42, v4;
	v36 =	vld [tilespmem:$0x1FCE0]  }
0xfe: {  	v0 =	vadd.f32 v44, v0;
	v44 =	vld [tilespmem:$0x1FBE0]  }
0xff: {  	v4 =	vadd.f32 v46, v4;
	v46 =	vld [tilespmem:$0x1FC00]  }
0x100: {  	v58 =	vmul.f32 v55, v61;
	v61 =	vmul.f32 v57, v25;
	v25 =	vadd.f32 v23, v24;
	v23 =	vld [tilespmem:$0xD30]  }
0x101: {  	v24 =	vld [tilespmem:$0xF30]  }
0x102: {  	v55 =	vld [tilespmem:$0x1FC50]  }
0x103: {  	v57 =	vmul.f32 v53, v35;
	v35 =	vld [tilespmem:$0x1FCD0]  }
0x104: {  	v47 =	vmul.f32 v43, v31;
	v43 =	vld [tilespmem:$0x1FD20]  }
0x105: {  	v53 =	vld [tilespmem:$0x1FD60]  }
0x106: {  	v31 =	vld [tilespmem:$0xB90]  }
0x107: {  	v4 =	vadd.f32 v50, v4;
	v50 =	vld [tilespmem:$0x1FC20]  }
0x108: {  	v42 =	vmul.f32 v25, v28;
	v25 =	vld [tilespmem:$0xB30]  }
0x109: {  	v0 =	vadd.f32 v48, v0;
	v48 =	vadd.f32 v29, v30;
	v28 =	vld [tilespmem:$0xF50]  }
0x10a: {  	v4 =	vadd.f32 v54, v4;
	v54 =	vld [tilespmem:$0x1FC40]  }
0x10b: {  	v0 =	vadd.f32 v52, v0;
	v52 =	vmul.f32 v48, v34;
	v34 =	vadd.f32 v10, v8;
	v10 =	vld [tilespmem:$0xF60]  }
0x10c: {  	v30 =	vadd.f32 v27, v5;
	v48 =	vld [tilespmem:$0x1FD40]  }
0x10d: {  	v9 =	vadd.f32 v46, v45;
	v46 =	vadd.f32 v16, v15;
	v15 =	vld [tilespmem:$0xD80]  }
0x10e: {  	v16 =	vld [tilespmem:$0xF80]  }
0x10f: {  	v8 =	vadd.f32 v37, v36;
	v36 =	vmul.f32 v30, v26;
	v30 =	vld [tilespmem:$0x1FF20]  }
0x110: {  	v0 =	vadd.f32 v56, v0;
	v56 =	vld [tilespmem:$0x1FC60]  }
0x111: {  	v4 =	vadd.f32 v58, v4;
	v58 =	vld [tilespmem:$0x1FC70]  }
0x112: {  	v39 =	vmul.f32 v34, v38;
	v34 =	vld [tilespmem:$0x1FE10]  }
0x113: {  	v38 =	vld [tilespmem:$0xFA0]  }
0x114: {  	v0 =	vadd.f32 v61, v0;
	v61 =	vadd.f32 v6, v40;
	v6 =	vld [tilespmem:$0xD50]  }
0x115: {  	v4 =	vadd.f32 v7, v4;
	v7 =	vmul.f32 v41, v44;
	v41 =	vld [tilespmem:$0x1FD00]  }
0x116: {  	v44 =	vld [tilespmem:$0xB60]  }
0x117: {  	v40 =	vadd.f32 v13, v12;
	v13 =	vld [tilespmem:$0xF70]  }
0x118: {  	v33 =	vmul.f32 v61, v3;
	v3 =	vld [tilespmem:$0xB50]  }
0x119: {  	v0 =	vadd.f32 v42, v0;
	v42 =	vld [tilespmem:$0x1FD10]  }
0x11a: {  	v45 =	vmul.f32 v40, v11;
	v11 =	vld [tilespmem:$0xD70]  }
0x11b: {  	v4 =	vadd.f32 v7, v4;
	v7 =	vmul.f32 v9, v49;
	v49 =	vld [tilespmem:$0x1FD50]  }
0x11c: {  	v61 =	vld [tilespmem:$0xB80]  }
0x11d: {  	v9 =	vadd.f32 v51, v50;
	v51 =	vadd.f32 v19, v18;
	v18 =	vld [tilespmem:$0xD90]  }
0x11e: {  	v40 =	vld [tilespmem:$0x1FE30]  }
0x11f: {  	v50 =	vmul.f32 v46, v14;
	v46 =	vld [tilespmem:$0x1FE50]  }
0x120: {  	v19 =	vld [tilespmem:$0xDD0]  }
0x121: {  	v0 =	vadd.f32 v47, v0;
	v47 =	vld [tilespmem:$0x1FD30]  }
0x122: {  	v4 =	vadd.f32 v7, v4;
	v7 =	vmul.f32 v9, v54;
	v54 =	vld [tilespmem:$0x1FD70]  }
0x123: {  	v9 =	vadd.f32 v56, v55;
	v55 =	vld [tilespmem:$0x1FD80]  }
0x124: {  	v0 =	vadd.f32 v52, v0;
	v52 =	vld [tilespmem:$0xB70]  }
0x125: {  	v4 =	vadd.f32 v7, v4;
	v7 =	vmul.f32 v9, v58;
	v58 =	vld [tilespmem:$0x1FD90]  }
0x126: {  	v9 =	vadd.f32 v60, v59;
	v59 =	vld [tilespmem:$0x1FDA0]  }
0x127: {  	v60 =	vld [tilespmem:$0x1FDB0]  }
0x128: {  	v37 =	vadd.f32 v3, v28;
	v28 =	vld [tilespmem:$0xBD0]  }
0x129: {  	v0 =	vadd.f32 v57, v0;
	v57 =	vadd.f32 v22, v21;
	v21 =	vld [tilespmem:$0x1FDC0]  }
0x12a: {  	v4 =	vadd.f32 v7, v4;
	v22 =	vld [tilespmem:$0x1FDD0]  }
0x12b: {  	v7 =	vmul.f32 v9, v62;
	v9 =	vadd.f32 v32, v63;
	v63 =	vadd.f32 v25, v24;
	v24 =	vld [tilespmem:$0x1FDE0]  }
0x12c: {  	v25 =	vld [tilespmem:$0xF90]  }
0x12d: {  	v32 =	vld [tilespmem:$0x1FDF0]  }
0x12e: {  	v4 =	vadd.f32 v7, v4;
	v7 =	vmul.f32 v9, v35;
	v9 =	vld [tilespmem:$0xD60]  }
0x12f: {  	v35 =	vld [tilespmem:$0xDA0]  }
0x130: {  	v29 =	vmul.f32 v63, v23;
	v63 =	vld [tilespmem:$0xBC0]  }
0x131: {  	v0 =	vadd.f32 v1, v0;
	v23 =	vld [tilespmem:$0x1FEF0]  }
0x132: {  	v56 =	vmul.f32 v51, v17;
	v51 =	vadd.f32 v52, v13;
	v52 =	vld [tilespmem:$0xBB0]  }
0x133: {  	v0 =	vadd.f32 v33, v0;
	v33 =	vld [tilespmem:$0x1FE00]  }
0x134: {  	v4 =	vadd.f32 v7, v4;
	v7 =	vmul.f32 v8, v41;
	v41 =	vld [tilespmem:$0x1FE40]  }
0x135: {  	v8 =	vadd.f32 v43, v42;
	v42 =	vld [tilespmem:$0xBA0]  }
0x136: {  	v43 =	vmul.f32 v37, v6;
	v37 =	vld [tilespmem:$0x1FF50]  }
0x137: {  	v17 =	vadd.f32 v31, v25;
	v25 =	vld [tilespmem:$0xFD0]  }
0x138: {  	v31 =	vld [tilespmem:$0x1FF30]  }
0x139: {  	v62 =	vmul.f32 v57, v20;
	v57 =	vmul.f32 v51, v11;
	v51 =	vld [tilespmem:$0x1FFB0]  }
0x13a: {  	v0 =	vadd.f32 v39, v0;
	v39 =	vld [tilespmem:$0x1FE20]  }
0x13b: {  	v4 =	vadd.f32 v7, v4;
	v7 =	vmul.f32 v8, v47;
	v47 =	vld [tilespmem:$0x1FE60]  }
0x13c: {  	v8 =	vadd.f32 v49, v48;
	v48 =	vld [tilespmem:$0x1FE70]  }
0x13d: {  	v49 =	vld [tilespmem:$0xFB0]  }
0x13e: {  	v0 =	vadd.f32 v45, v0;
	v45 =	vld [tilespmem:$0xDB0]  }
0x13f: {  	v4 =	vadd.f32 v7, v4;
	v7 =	vmul.f32 v8, v53;
	v53 =	vld [tilespmem:$0x1FE80]  }
0x140: {  	v8 =	vadd.f32 v55, v54;
	v54 =	vld [tilespmem:$0x1FE90]  }
0x141: {  	v55 =	vld [tilespmem:$0x1FEA0]  }
0x142: {  	v27 =	vadd.f32 v42, v38;
	v38 =	vld [tilespmem:$0x1FF60]  }
0x143: {  	v44 =	vadd.f32 v44, v10;
	v42 =	vld [tilespmem:$0xFF0];
	v0 =	vadd.f32 v50, v0  }
0x144: {  	v4 =	vadd.f32 v7, v4;
	v7 =	vmul.f32 v8, v58;
	v8 =	vadd.f32 v60, v59;
	v59 =	vld [tilespmem:$0xFC0]  }
0x145: {  	v58 =	vadd.f32 v61, v16;
	v60 =	vld [tilespmem:$0x1FEB0];
	v0 =	vadd.f32 v56, v0  }
0x146: {  	v61 =	vld [tilespmem:$0x1FEC0];
	v4 =	vadd.f32 v7, v4;
	v7 =	vmul.f32 v8, v21;
	v8 =	vadd.f32 v24, v22  }
0x147: {  	v50 =	vmul.f32 v44, v9;
	v44 =	vld [tilespmem:$0x1FF80];
	v0 =	vadd.f32 v62, v0  }
0x148: {  	v56 =	vld [tilespmem:$0xDC0];
	v4 =	vadd.f32 v7, v4;
	v7 =	vmul.f32 v8, v32;
	v8 =	vadd.f32 v34, v33  }
0x149: {  	v22 =	vld [tilespmem:$0x1FEE0];
	v0 =	vadd.f32 v29, v0  }
0x14a: {  	v24 =	vld [tilespmem:$0x1FF00];
	v4 =	vadd.f32 v7, v4;
	v7 =	vmul.f32 v8, v39;
	v8 =	vadd.f32 v41, v40  }
0x14b: {  	v16 =	vmul.f32 v58, v15;
	v62 =	vld [tilespmem:$0x1FED0];
	v0 =	vadd.f32 v36, v0  }
0x14c: {  	v58 =	vld [tilespmem:$0x1FFF0];
	v4 =	vadd.f32 v7, v4;
	v7 =	vmul.f32 v8, v46;
	v8 =	vadd.f32 v48, v47  }
0x14d: {  	v32 =	vld [tilespmem:$0xDE0];
	v33 =	vmul.f32 v27, v35;
	v0 =	vadd.f32 v43, v0  }
0x14e: {  	v35 =	vld [tilespmem:$0xFE0];
	v4 =	vadd.f32 v7, v4;
	v7 =	vmul.f32 v8, v53;
	v8 =	vadd.f32 v55, v54  }
0x14f: {  	v34 =	vadd.f32 v52, v49;
	v29 =	vld [tilespmem:$0x1FF10];
	v0 =	vadd.f32 v50, v0  }
0x150: {  	v52 =	vld [tilespmem:$0x1FFC0];
	v4 =	vadd.f32 v7, v4;
	v7 =	vmul.f32 v8, v60;
	v8 =	vadd.f32 v62, v61  }
0x151: {  	v40 =	vmul.f32 v34, v45;
	v36 =	vld [tilespmem:$0x1FF40];
	v0 =	vadd.f32 v57, v0  }
0x152: {  	v45 =	vld [tilespmem:$0x1FF90];
	v4 =	vadd.f32 v7, v4;
	v7 =	vmul.f32 v8, v22;
	v8 =	vadd.f32 v24, v23  }
0x153: {  	v26 =	vmul.f32 v17, v18;
	v43 =	vld [tilespmem:$0x1FF70];
	v0 =	vadd.f32 v16, v0  }
0x154: {  	v39 =	vld [tilespmem:$0xBE0];
	v4 =	vadd.f32 v7, v4;
	v7 =	vmul.f32 v8, v29;
	v8 =	vadd.f32 v31, v30  }
0x155: {  	v41 =	vadd.f32 v63, v59;
	v50 =	vld [tilespmem:$0x1FFA0];
	v0 =	vadd.f32 v26, v0  }
0x156: {  	v46 =	vld [tilespmem:$0xBF0];
	v4 =	vadd.f32 v7, v4;
	v7 =	vmul.f32 v8, v36;
	v8 =	vadd.f32 v38, v37  }
0x157: {  	v47 =	vmul.f32 v41, v56;
	v56 =	vld [tilespmem:$0x1FFD0];
	v0 =	vadd.f32 v33, v0  }
0x158: {  	v57 =	vld [tilespmem:$0x1FFE0];
	v4 =	vadd.f32 v7, v4;
	v7 =	vmul.f32 v8, v43;
	v8 =	vadd.f32 v45, v44  }
0x159: {  	v48 =	vadd.f32 v28, v25;
	v53 =	vld [tilespmem:$0xDF0];
	v0 =	vadd.f32 v40, v0  }
0x15a: {  	v49 =	vld [tilespmem:$0x5F0];
	v55 =	vadd.f32 v39, v35;
	v4 =	vadd.f32 v7, v4;
	v7 =	vmul.f32 v8, v50  }
0x15b: {  	v54 =	vmul.f32 v48, v19;
	v8 =	vadd.f32 v52, v51;
	v0 =	vadd.f32 v47, v0  }
0x15c: {  	v59 =	vmul.f32 v55, v32;
	v60 =	vadd.f32 v46, v42;
	v4 =	vadd.f32 v7, v4  }
0x15d: {  	v5 =	vmul.f32 v8, v56;
	v7 =	vadd.f32 v58, v57;
	v0 =	vadd.f32 v54, v0  }
0x15e: {  	v61 =	vmul.f32 v60, v53  }
0x15f: {  	v4 =	vadd.f32 v5, v4;
	v3 =	vmul.f32 v7, v49;
	v0 =	vadd.f32 v59, v0;
	_ =	sdelay $0x1  }
0x160: {  	v62 =	vadd.f32 v3, v4;
	v0 =	vadd.f32 v61, v0;
	_ =	sdelay $0x1  }
0x161: {  	v63 =	vmul.f32 $3.051757810e-05, v62;
	v0 =	vmul.f32 $3.051757810e-05, v0;
	_ =	sdelay $0x1  }
0x162: {  	v0 =	vadd.f32 v0, v63  }
0x163: {  	p0 =	sne.s32 s7, $0x1  }
.Ltmp0:
0x164: {  	[tilespmem:$0x1000] =	vst v0;
	(pc) =	sbr.rel @p0 .LBB2_1-.Ltmp0, $4  }
0x165: {  	[hbm4b:s6+s2] =	stream.linear.scatter [tilespmem:s31], [sflag:$0x4], $0x80, $0x38;
	[tilespmem:$0x1080] =	vst v63  }
0x166: {  	_ =	swait.ge [sflag:s1], $0x80  }
0x167: {  	[sflag:s1] =	ssyncset.done $0x0  }
0x168: {  	s7 =	sadd.s32 $0xFFFFFFFF, s7;
	[sflag:s1] =	ssyncadd.s32 $0xFFFFFF80  }
0x169: {  	_ =	sfence.sel $0x180000  }
0x16a: {  	[bflag:$0x0] =	sbarrier.arrive $0xFFFF  }
0x16b: {  	_ =	strace $0x90000047  }
0x16c: {  	s0 =	stileid.u32;
	[bflag:$0x2] =	sbarrier.arrive $0xFFFF  }
0x16d: {  	p0 =	sne.s32 s0, $0x0;
	s0 =	rddreg [dreg:$0x1]  }
0x16e: {  	s0 =	sadd.s32 @!p0 $0x100000, s0  }
0x16f: {  	[sflag:s0] =	ssyncadd.tile.s32 @!p0 $0x1;
	_ =	shalt  }
.Lfunc_end2:
_tile_overlayer_lowered:
.L_overlay_start_2:
0x170: {  	(tag) =	ssettag $0x2  }
0x171: {  	s0 =	rddreg [dreg:$0x0];
	s2 =	stileid.u32  }
0x172: {  	s1 =	rddreg [dreg:$0x1];
	p0 =	sne.s32 s2, $0x0  }
0x173: {  	s3 =	rddreg [dreg:$0x2];
	[bflag:$0x3] =	sbarrier.arrive $0xFFFF;
	s2 =	simm.s32 @!p0 $0x1C04  }
0x174: {  	[timem:s3], [sflag:s2] =	dma.local @!p0 [hbm:s0], s1  }
0x175: {  	s0 =	simm.s32 @!p0 $0x4  }
0x176: {  	_ =	swait.ge @!p0 [sflag:s0], s1  }
0x177: {  	s1 =	ssub.s32 @!p0 $0x0, s1;
	[sflag:s0] =	ssyncset.done @!p0 $0x0  }
0x178: {  	[sflag:s0] =	ssyncadd.s32 @!p0 s1  }
0x179: {  	[bflag:$0x3] =	sbarrier.arrive $0xFFFF  }
0x17a: {  	_ =	shalt  }

</sc_bundles>
